<compile_context>
chip_gen: v7x
topology: tpu7x:2x2x1
jax: 0.10.2.dev20260603
libtpu: 0.0.44.dev20260713+nightly
codegen_flags: <defaults>
</compile_context>

<pallas_src>
import functools

import jax
import jax.numpy as jnp
from jax import lax
from jax.experimental import pallas as pl
from jax.experimental.pallas import tpu as pltpu
from jax.experimental.pallas import tpu_sc as plsc

_D = 128
_L = 80
_K = 5
_NEG = 5
_SLOTS = 2 * _K
_NNEG = _L * _SLOTS * _NEG
_NROWS = _L + _NNEG
_NW = 32
_B = 4096
_BPW = _B // _NW


def _sc_gather(table, mp, neg):
    mesh = plsc.VectorSubcoreMesh(core_axis_name="c", subcore_axis_name="s")

    @functools.partial(
        pl.kernel,
        mesh=mesh,
        out_type=jax.ShapeDtypeStruct((_B, _D), jnp.float32),
        scratch_types=[
            pltpu.VMEM((_BPW,), jnp.int32),
            pltpu.VMEM((_BPW, _D), jnp.float32),
            pltpu.SemaphoreType.DMA,
        ],
    )
    def gather_kernel(table_hbm, mp_hbm, neg_hbm, out_hbm, idx_v, rows_v, sem):
        wid = lax.axis_index("s") * 2 + lax.axis_index("c")
        base = wid * _BPW

        @pl.when(wid == 0)
        def _():
            pltpu.sync_copy(mp_hbm, idx_v.at[pl.ds(0, _L)])
            pltpu.sync_copy(neg_hbm.at[pl.ds(0, _BPW - _L)],
                            idx_v.at[pl.ds(_L, _BPW - _L)])

        @pl.when((wid > 0) & (wid < _NW - 1))
        def _():
            pltpu.sync_copy(neg_hbm.at[pl.ds(base - _L, _BPW)], idx_v)

        @pl.when(wid == _NW - 1)
        def _():
            tail = _NNEG - ((_NW - 1) * _BPW - _L)
            pltpu.sync_copy(neg_hbm.at[pl.ds(_NNEG - tail, tail)],
                            idx_v.at[pl.ds(0, tail)])
            for t in range(tail, _BPW, 16):
                idx_v[pl.ds(t, 16)] = jnp.zeros((16,), jnp.int32)

        pltpu.async_copy(table_hbm.at[idx_v], rows_v, sem).wait()
        pltpu.sync_copy(rows_v, out_hbm.at[pl.ds(base, _BPW)])

    return gather_kernel(table, mp, neg)


def _tc_loss_kernel(rows_ref, out_ref):
    walk = rows_ref[0:_L, :]
    negs = rows_ref[_L:_L + _NNEG, :]

    gram = lax.dot_general(walk, walk, (((1,), (1,)), ((), ())),
                           preferred_element_type=jnp.float32)
    ii = lax.broadcasted_iota(jnp.int32, (_L, _L), 0)
    jj = lax.broadcasted_iota(jnp.int32, (_L, _L), 1)
    dij = jnp.abs(ii - jj)
    mask_pos = (dij >= 1) & (dij <= _K)

    def softplus(x):
        return jnp.maximum(x, 0.0) + jnp.log1p(jnp.exp(-jnp.abs(x)))

    per_owner = _SLOTS * _NEG
    gsz = 400
    gown = gsz // per_owner
    neg_loss = jnp.float32(0.0)
    for g in range(_NNEG // gsz):
        ns = negs[g * gsz:(g + 1) * gsz, :]
        ws = walk[g * gown:(g + 1) * gown, :]
        ndg = lax.dot_general(ns, ws, (((1,), (1,)), ((), ())),
                              preferred_element_type=jnp.float32)
        lr = lax.broadcasted_iota(jnp.int32, (gsz, gown), 0)
        cc = lax.broadcasted_iota(jnp.int32, (gsz, gown), 1)
        oloc = lr // per_owner
        owner = oloc + g * gown
        slot = (lr % per_owner) // _NEG
        wsize = (jnp.minimum(owner + _K, _L - 1)
                 - jnp.maximum(owner - _K, 0))
        mask = (cc == oloc) & (slot < wsize)
        neg_loss = neg_loss + jnp.sum(jnp.where(mask, softplus(ndg), 0.0))

    pos_loss = jnp.sum(jnp.where(mask_pos, softplus(-gram), 0.0))
    n_pairs = jnp.sum(mask_pos.astype(jnp.float32))
    out_ref[0, 0] = (pos_loss + neg_loss) / n_pairs


def kernel(MP, neg_samples, X):
    mp = MP.astype(jnp.int32)
    neg = neg_samples.astype(jnp.int32).reshape(-1)
    rows = _sc_gather(X, mp, neg)
    loss = pl.pallas_call(
        _tc_loss_kernel,
        out_shape=jax.ShapeDtypeStruct((1, 1), jnp.float32),
        out_specs=pl.BlockSpec(memory_space=pltpu.SMEM),
    )(rows)
    return loss[0, 0]

# --- scband reference (transcript-rebuilt; emitter-appended) ---
"""Pipeline reference for scband-metapath2vec-model-86835648790550 (READ-ONLY COPY).

The authoritative reference and input builder live on the scoring server;
editing this copy changes nothing except your own understanding.
"""

import jax, jax.numpy as jnp
import numpy as np

NUM_NODES = 100000
EMBED_DIM = 128
WALK_LEN = 80
K_NEIGHBOR = 5
NEG_PER_POS = 5


def setup_inputs(seed: int = 0) -> dict:
    key = jax.random.key(seed)
    k1, k2, k3 = jax.random.split(key, 3)
    MP = jax.random.randint(k1, (WALK_LEN,), 0, NUM_NODES)
    neg_samples = jax.random.randint(k2, (WALK_LEN, 2 * K_NEIGHBOR, NEG_PER_POS), 0, NUM_NODES)
    X = jax.random.normal(k3, (NUM_NODES, EMBED_DIM), dtype=jnp.float32) * 0.1
    return {"MP": MP, "neg_samples": neg_samples, "X": X}


def reference(MP, neg_samples, X):
    # Heterogeneous SkipGram loss over a metapath random walk MP.
    # For each center position i and each context position j in the window
    # (j != i), compute -log_sigmoid(<X_v, X_c>) plus the negative-sampling
    # term -sum(log_sigmoid(-<X_v, X_u>)) over NEG_PER_POS negatives.
    log_sig = jax.nn.log_sigmoid
    L = MP.shape[0]
    k = K_NEIGHBOR
    total_loss = jnp.float32(0.0)
    n = 0
    for i in range(L):
        cnt = 0
        v = MP[i]
        X_v = X[v]  # gather [d]
        for j in range(max(0, i - k), min(i + k + 1, L)):
            if i == j:
                continue
            c_t = MP[j]
            u_t = neg_samples[i, cnt]  # [NEG_PER_POS] negative node ids
            cnt += 1
            X_ct = X[c_t]          # gather [d]
            X_ut = X[u_t]          # gather [NEG_PER_POS, d]
            loss1 = -log_sig(jnp.sum(X_v * X_ct))
            calc2 = jnp.sum(-X_v[None, :] * X_ut, axis=1)
            loss2 = -jnp.sum(log_sig(calc2))
            total_loss = total_loss + loss1 + loss2
            n += 1
    return total_loss / n

if __name__ == "__main__":
    import jax
    _d = setup_inputs()
    print(jax.jit(kernel)(*tuple(_d.values())))

</pallas_src>

<mosaic_0001>
#map = affine_map<(d0, d1) -> (0, 0)>
#map1 = affine_map<(d0, d1) -> (0)>
module attributes {stable_mosaic.version = 14 : i64} {
  func.func @gather_kernel(%arg0: i32, %arg1: i32, %arg2: memref<100000x128xf32, #tpu.memory_space<hbm>>, %arg3: memref<80xi32, #tpu.memory_space<hbm>>, %arg4: memref<4000xi32, #tpu.memory_space<hbm>>, %arg5: memref<4096x128xf32, #tpu.memory_space<hbm>>, %arg6: memref<128xi32, #tpu.memory_space<vmem>>, %arg7: memref<128x128xf32, #tpu.memory_space<vmem>>, %arg8: memref<!tpu.dma_semaphore, #tpu.memory_space<semaphore_mem>>) attributes {dimension_semantics = [#tpu.dimension_semantics<core_parallel>, #tpu.dimension_semantics<subcore_parallel>], iteration_bounds = array<i64: 2, 16>, scalar_prefetch = 0 : i64, scratch_operands = 3 : i64, tpu.core_type = #tpu.core_type<sc_vector_subcore>, window_params = [{transform_indices = #map}, {transform_indices = #map1}, {transform_indices = #map1}, {transform_indices = #map}]} {
    %mul3A = arith.constant 2 : i32
    %mul3A_0 = arith.muli %arg1, %mul3A : i32
    %add3A = arith.addi %mul3A_0, %arg0 : i32
    %mul3A_1 = arith.constant 128 : i32
    %mul3A_2 = arith.muli %add3A, %mul3A_1 : i32
    %eq3A = arith.constant 0 : i32
    %eq3A_3 = arith.cmpi eq, %add3A, %eq3A : i32
    %convert_element_type3A = arith.extui %eq3A_3 : i1 to i32
    %cond3A = arith.constant 0 : i32
    %cond3A_4 = arith.cmpi ne, %convert_element_type3A, %cond3A : i32
    scf.if %cond3A_4 {
      "tpu.region"() ({
        %run_scoped3A = tpu.sem_alloc : memref<!tpu.dma_semaphore, #tpu.memory_space<semaphore_mem>>
        %dma_start3A_19 = arith.constant 0 : i32
        %dma_start3A_20 = tpu.memref_slice %arg6[%dma_start3A_19] : memref<128xi32, #tpu.memory_space<vmem>> -> memref<80xi32, #tpu.memory_space<vmem>>
        %dma_start3A_21 = arith.constant 0 : i32
        %dma_start3A_22 = tpu.memref_slice %arg6[%dma_start3A_21] : memref<128xi32, #tpu.memory_space<vmem>> -> memref<80xi32, #tpu.memory_space<vmem>>
        tpu.enqueue_dma source(%arg3 : memref<80xi32, #tpu.memory_space<hbm>>) target(%dma_start3A_22 : memref<80xi32, #tpu.memory_space<vmem>>) target_semaphore(%run_scoped3A : memref<!tpu.dma_semaphore, #tpu.memory_space<semaphore_mem>>)
        %dma_wait3A_23 = arith.constant 0 : i32
        %dma_wait3A_24 = tpu.memref_slice %arg6[%dma_wait3A_23] : memref<128xi32, #tpu.memory_space<vmem>> -> memref<80xi32, #tpu.memory_space<vmem>>
        %dma_wait3A_25 = arith.constant 0 : i32
        %dma_wait3A_26 = tpu.memref_slice %arg6[%dma_wait3A_25] : memref<128xi32, #tpu.memory_space<vmem>> -> memref<80xi32, #tpu.memory_space<vmem>>
        tpu.wait_dma2 semaphore(%run_scoped3A : memref<!tpu.dma_semaphore, #tpu.memory_space<semaphore_mem>>) src(%arg3 : memref<80xi32, #tpu.memory_space<hbm>>) dst(%dma_wait3A_26 : memref<80xi32, #tpu.memory_space<vmem>>)
        tpu.yield
      }) : () -> ()
      "tpu.region"() ({
        %run_scoped3A = tpu.sem_alloc : memref<!tpu.dma_semaphore, #tpu.memory_space<semaphore_mem>>
        %dma_start3A_19 = arith.constant 80 : i32
        %dma_start3A_20 = tpu.memref_slice %arg6[%dma_start3A_19] : memref<128xi32, #tpu.memory_space<vmem>> -> memref<48xi32, #tpu.memory_space<vmem>>
        %dma_start3A_21 = arith.constant 0 : i32
        %dma_start3A_22 = tpu.memref_slice %arg4[%dma_start3A_21] : memref<4000xi32, #tpu.memory_space<hbm>> -> memref<48xi32, #tpu.memory_space<hbm>>
        %dma_start3A_23 = arith.constant 80 : i32
        %dma_start3A_24 = tpu.memref_slice %arg6[%dma_start3A_23] : memref<128xi32, #tpu.memory_space<vmem>> -> memref<48xi32, #tpu.memory_space<vmem>>
        %dma_start3A_25 = arith.constant 0 : i32
        %dma_start3A_26 = tpu.memref_slice %arg4[%dma_start3A_25] : memref<4000xi32, #tpu.memory_space<hbm>> -> memref<48xi32, #tpu.memory_space<hbm>>
        tpu.enqueue_dma source(%dma_start3A_26 : memref<48xi32, #tpu.memory_space<hbm>>) target(%dma_start3A_24 : memref<48xi32, #tpu.memory_space<vmem>>) target_semaphore(%run_scoped3A : memref<!tpu.dma_semaphore, #tpu.memory_space<semaphore_mem>>)
        %dma_wait3A_27 = arith.constant 80 : i32
        %dma_wait3A_28 = tpu.memref_slice %arg6[%dma_wait3A_27] : memref<128xi32, #tpu.memory_space<vmem>> -> memref<48xi32, #tpu.memory_space<vmem>>
        %dma_wait3A_29 = arith.constant 0 : i32
        %dma_wait3A_30 = tpu.memref_slice %arg4[%dma_wait3A_29] : memref<4000xi32, #tpu.memory_space<hbm>> -> memref<48xi32, #tpu.memory_space<hbm>>
        %dma_wait3A_31 = arith.constant 80 : i32
        %dma_wait3A_32 = tpu.memref_slice %arg6[%dma_wait3A_31] : memref<128xi32, #tpu.memory_space<vmem>> -> memref<48xi32, #tpu.memory_space<vmem>>
        %dma_wait3A_33 = arith.constant 0 : i32
        %dma_wait3A_34 = tpu.memref_slice %arg4[%dma_wait3A_33] : memref<4000xi32, #tpu.memory_space<hbm>> -> memref<48xi32, #tpu.memory_space<hbm>>
        tpu.wait_dma2 semaphore(%run_scoped3A : memref<!tpu.dma_semaphore, #tpu.memory_space<semaphore_mem>>) src(%dma_wait3A_34 : memref<48xi32, #tpu.memory_space<hbm>>) dst(%dma_wait3A_32 : memref<48xi32, #tpu.memory_space<vmem>>)
        tpu.yield
      }) : () -> ()
    } else {
    }
    %gt3A = arith.constant 0 : i32
    %gt3A_5 = arith.cmpi sgt, %add3A, %gt3A : i32
    %lt3A = arith.constant 31 : i32
    %lt3A_6 = arith.cmpi slt, %add3A, %lt3A : i32
    %and3A = arith.andi %gt3A_5, %lt3A_6 : i1
    %convert_element_type3A_7 = arith.extui %and3A : i1 to i32
    %cond3A_8 = arith.constant 0 : i32
    %cond3A_9 = arith.cmpi ne, %convert_element_type3A_7, %cond3A_8 : i32
    scf.if %cond3A_9 {
      %sub3A = arith.constant 80 : i32
      %sub3A_19 = arith.subi %mul3A_2, %sub3A : i32
      "tpu.region"() ({
        %run_scoped3A = tpu.sem_alloc : memref<!tpu.dma_semaphore, #tpu.memory_space<semaphore_mem>>
        %dma_start3A_20 = tpu.memref_slice %arg4[%sub3A_19] : memref<4000xi32, #tpu.memory_space<hbm>> -> memref<128xi32, #tpu.memory_space<hbm>>
        %dma_start3A_21 = tpu.memref_slice %arg4[%sub3A_19] : memref<4000xi32, #tpu.memory_space<hbm>> -> memref<128xi32, #tpu.memory_space<hbm>>
        tpu.enqueue_dma source(%dma_start3A_21 : memref<128xi32, #tpu.memory_space<hbm>>) target(%arg6 : memref<128xi32, #tpu.memory_space<vmem>>) target_semaphore(%run_scoped3A : memref<!tpu.dma_semaphore, #tpu.memory_space<semaphore_mem>>)
        %dma_wait3A_22 = tpu.memref_slice %arg4[%sub3A_19] : memref<4000xi32, #tpu.memory_space<hbm>> -> memref<128xi32, #tpu.memory_space<hbm>>
        %dma_wait3A_23 = tpu.memref_slice %arg4[%sub3A_19] : memref<4000xi32, #tpu.memory_space<hbm>> -> memref<128xi32, #tpu.memory_space<hbm>>
        tpu.wait_dma2 semaphore(%run_scoped3A : memref<!tpu.dma_semaphore, #tpu.memory_space<semaphore_mem>>) src(%dma_wait3A_23 : memref<128xi32, #tpu.memory_space<hbm>>) dst(%arg6 : memref<128xi32, #tpu.memory_space<vmem>>)
        tpu.yield
      }) : () -> ()
    } else {
    }
    %eq3A_10 = arith.constant 31 : i32
    %eq3A_11 = arith.cmpi eq, %add3A, %eq3A_10 : i32
    %convert_element_type3A_12 = arith.extui %eq3A_11 : i1 to i32
    %cond3A_13 = arith.constant 0 : i32
    %cond3A_14 = arith.cmpi ne, %convert_element_type3A_12, %cond3A_13 : i32
    scf.if %cond3A_14 {
      "tpu.region"() ({
        %run_scoped3A = tpu.sem_alloc : memref<!tpu.dma_semaphore, #tpu.memory_space<semaphore_mem>>
        %dma_start3A_23 = arith.constant 0 : i32
        %dma_start3A_24 = tpu.memref_slice %arg6[%dma_start3A_23] : memref<128xi32, #tpu.memory_space<vmem>> -> memref<112xi32, #tpu.memory_space<vmem>>
        %dma_start3A_25 = arith.constant 3888 : i32
        %dma_start3A_26 = tpu.memref_slice %arg4[%dma_start3A_25] : memref<4000xi32, #tpu.memory_space<hbm>> -> memref<112xi32, #tpu.memory_space<hbm>>
        %dma_start3A_27 = arith.constant 0 : i32
        %dma_start3A_28 = tpu.memref_slice %arg6[%dma_start3A_27] : memref<128xi32, #tpu.memory_space<vmem>> -> memref<112xi32, #tpu.memory_space<vmem>>
        %dma_start3A_29 = arith.constant 3888 : i32
        %dma_start3A_30 = tpu.memref_slice %arg4[%dma_start3A_29] : memref<4000xi32, #tpu.memory_space<hbm>> -> memref<112xi32, #tpu.memory_space<hbm>>
        tpu.enqueue_dma source(%dma_start3A_30 : memref<112xi32, #tpu.memory_space<hbm>>) target(%dma_start3A_28 : memref<112xi32, #tpu.memory_space<vmem>>) target_semaphore(%run_scoped3A : memref<!tpu.dma_semaphore, #tpu.memory_space<semaphore_mem>>)
        %dma_wait3A_31 = arith.constant 0 : i32
        %dma_wait3A_32 = tpu.memref_slice %arg6[%dma_wait3A_31] : memref<128xi32, #tpu.memory_space<vmem>> -> memref<112xi32, #tpu.memory_space<vmem>>
        %dma_wait3A_33 = arith.constant 3888 : i32
        %dma_wait3A_34 = tpu.memref_slice %arg4[%dma_wait3A_33] : memref<4000xi32, #tpu.memory_space<hbm>> -> memref<112xi32, #tpu.memory_space<hbm>>
        %dma_wait3A_35 = arith.constant 0 : i32
        %dma_wait3A_36 = tpu.memref_slice %arg6[%dma_wait3A_35] : memref<128xi32, #tpu.memory_space<vmem>> -> memref<112xi32, #tpu.memory_space<vmem>>
        %dma_wait3A_37 = arith.constant 3888 : i32
        %dma_wait3A_38 = tpu.memref_slice %arg4[%dma_wait3A_37] : memref<4000xi32, #tpu.memory_space<hbm>> -> memref<112xi32, #tpu.memory_space<hbm>>
        tpu.wait_dma2 semaphore(%run_scoped3A : memref<!tpu.dma_semaphore, #tpu.memory_space<semaphore_mem>>) src(%dma_wait3A_38 : memref<112xi32, #tpu.memory_space<hbm>>) dst(%dma_wait3A_36 : memref<112xi32, #tpu.memory_space<vmem>>)
        tpu.yield
      }) : () -> ()
      %broadcast_in_dim3A = arith.constant 0 : i32
      %broadcast_in_dim3A_19 = vector.broadcast %broadcast_in_dim3A : i32 to vector<16xi32>
      %swap3A = arith.constant 112 : index
      %swap3A_20 = tpu.vector_load %arg6[%swap3A] {strides = array<i32>} : memref<128xi32, #tpu.memory_space<vmem>>, vector<16xi32>,
      %swap3A_21 = vector.shape_cast %swap3A_20 : vector<16xi32> to vector<16xi32>
      %swap3A_22 = vector.shape_cast %broadcast_in_dim3A_19 : vector<16xi32> to vector<16xi32>
      tpu.vector_store %arg6[%swap3A], %swap3A_22 {strides = array<i32>} : memref<128xi32, #tpu.memory_space<vmem>>, vector<16xi32>,
    } else {
    }
    %dma_start3A = arith.constant 0 : i32
    %dma_start3A_15 = arith.constant 0 : i32
    %dma_start3A_16 = tpu.memref_slice %arg2[%dma_start3A, %dma_start3A_15] : memref<100000x128xf32, #tpu.memory_space<hbm>> -> memref<100000x128xf32, #tpu.memory_space<hbm>>
    tpu.enqueue_indirect_dma source(%dma_start3A_16 : memref<100000x128xf32, #tpu.memory_space<hbm>>) target(%arg7 : memref<128x128xf32, #tpu.memory_space<vmem>>) offsets(%arg6 : memref<128xi32, #tpu.memory_space<vmem>>) semaphore(%arg8 : memref<!tpu.dma_semaphore, #tpu.memory_space<semaphore_mem>>)
    %dma_wait3A = arith.constant 0 : i32
    %dma_wait3A_17 = arith.constant 0 : i32
    %dma_wait3A_18 = tpu.memref_slice %arg2[%dma_wait3A, %dma_wait3A_17] : memref<100000x128xf32, #tpu.memory_space<hbm>> -> memref<100000x128xf32, #tpu.memory_space<hbm>>
    tpu.wait_indirect_dma semaphore(%arg8 : memref<!tpu.dma_semaphore, #tpu.memory_space<semaphore_mem>>) src(%dma_wait3A_18 : memref<100000x128xf32, #tpu.memory_space<hbm>>) dst(%arg7 : memref<128x128xf32, #tpu.memory_space<vmem>>)
    "tpu.region"() ({
      %run_scoped3A = tpu.sem_alloc : memref<!tpu.dma_semaphore, #tpu.memory_space<semaphore_mem>>
      %dma_start3A_19 = arith.constant 0 : i32
      %dma_start3A_20 = tpu.memref_slice %arg5[%mul3A_2, %dma_start3A_19] : memref<4096x128xf32, #tpu.memory_space<hbm>> -> memref<128x128xf32, #tpu.memory_space<hbm>>
      %dma_start3A_21 = arith.constant 0 : i32
      %dma_start3A_22 = tpu.memref_slice %arg5[%mul3A_2, %dma_start3A_21] : memref<4096x128xf32, #tpu.memory_space<hbm>> -> memref<128x128xf32, #tpu.memory_space<hbm>>
      tpu.enqueue_dma source(%arg7 : memref<128x128xf32, #tpu.memory_space<vmem>>) target(%dma_start3A_22 : memref<128x128xf32, #tpu.memory_space<hbm>>) target_semaphore(%run_scoped3A : memref<!tpu.dma_semaphore, #tpu.memory_space<semaphore_mem>>)
      %dma_wait3A_23 = arith.constant 0 : i32
      %dma_wait3A_24 = tpu.memref_slice %arg5[%mul3A_2, %dma_wait3A_23] : memref<4096x128xf32, #tpu.memory_space<hbm>> -> memref<128x128xf32, #tpu.memory_space<hbm>>
      %dma_wait3A_25 = arith.constant 0 : i32
      %dma_wait3A_26 = tpu.memref_slice %arg5[%mul3A_2, %dma_wait3A_25] : memref<4096x128xf32, #tpu.memory_space<hbm>> -> memref<128x128xf32, #tpu.memory_space<hbm>>
      tpu.wait_dma2 semaphore(%run_scoped3A : memref<!tpu.dma_semaphore, #tpu.memory_space<semaphore_mem>>) src(%arg7 : memref<128x128xf32, #tpu.memory_space<vmem>>) dst(%dma_wait3A_26 : memref<128x128xf32, #tpu.memory_space<hbm>>)
      tpu.yield
    }) : () -> ()
    return
  }
}

module attributes {stable_mosaic.version = 14 : i64} {
  func.func @_tc_loss_kernel(%arg0: memref<4096x128xf32, #tpu.memory_space<vmem>>, %arg1: memref<1x1xf32, #tpu.memory_space<smem>>) attributes {dimension_semantics = [], scalar_prefetch = 0 : i64, scratch_operands = 0 : i64, tpu.core_type = #tpu.core_type<tc>} {
    %get3A = arith.constant 0 : index
    %get3A_0 = arith.constant 0 : index
    %get3A_1 = vector.load %arg0[%get3A, %get3A_0] : memref<4096x128xf32, #tpu.memory_space<vmem>>, vector<80x128xf32>
    %get3A_2 = arith.constant 80 : index
    %get3A_3 = arith.constant 0 : index
    %get3A_4 = vector.load %arg0[%get3A_2, %get3A_3] : memref<4096x128xf32, #tpu.memory_space<vmem>>, vector<4000x128xf32>
    %dot_general3A = arith.constant dense<0.000000e+00> : vector<80x80xf32>
    %dot_general3A_5 = tpu.matmul %get3A_1, %get3A_1, %dot_general3A {dimension_numbers = #tpu.dot_dimension_numbers<[1], [1], [0], [0], [0, 0, 1, 0], [], []>, transpose_lhs_hint = false} : vector<80x128xf32>, vector<80x128xf32>, vector<80x80xf32> -> vector<80x80xf32>
    %iota3A = tpu.iota {dimensions = array<i32: 0>} : vector<80x80xi32>
    %iota3A_6 = tpu.iota {dimensions = array<i32: 1>} : vector<80x80xi32>
    %sub3A = arith.subi %iota3A, %iota3A_6 : vector<80x80xi32>
    %abs3A = math.absi %sub3A : vector<80x80xi32>
    %ge3A = arith.constant 1 : i32
    %ge3A_7 = vector.broadcast %ge3A : i32 to vector<80x80xi32>
    %ge3A_8 = arith.cmpi sge, %abs3A, %ge3A_7 : vector<80x80xi32>
    %le3A = arith.constant 5 : i32
    %le3A_9 = vector.broadcast %le3A : i32 to vector<80x80xi32>
    %le3A_10 = arith.cmpi sle, %abs3A, %le3A_9 : vector<80x80xi32>
    %and3A = arith.andi %ge3A_8, %le3A_10 : vector<80x80xi1>
    %slice3A = vector.extract_strided_slice %get3A_4 {offsets = [0, 0], sizes = [400, 128], strides = [1, 1]} : vector<4000x128xf32> to vector<400x128xf32>
    %slice3A_11 = vector.extract_strided_slice %get3A_1 {offsets = [0, 0], sizes = [8, 128], strides = [1, 1]} : vector<80x128xf32> to vector<8x128xf32>
    %dot_general3A_12 = arith.constant dense<0.000000e+00> : vector<400x8xf32>
    %dot_general3A_13 = tpu.matmul %slice3A, %slice3A_11, %dot_general3A_12 {dimension_numbers = #tpu.dot_dimension_numbers<[1], [1], [0], [0], [0, 0, 1, 0], [], []>, transpose_lhs_hint = false} : vector<400x128xf32>, vector<8x128xf32>, vector<400x8xf32> -> vector<400x8xf32>
    %iota3A_14 = tpu.iota {dimensions = array<i32: 0>} : vector<400x8xi32>
    %iota3A_15 = tpu.iota {dimensions = array<i32: 1>} : vector<400x8xi32>
    %jit3A = arith.constant 50 : i32
    %div3A = vector.broadcast %jit3A : i32 to vector<400x8xi32>
    %div3A_16 = arith.divsi %iota3A_14, %div3A : vector<400x8xi32>
    %sign3A = arith.constant 0 : i32
    %sign3A_17 = vector.broadcast %sign3A : i32 to vector<400x8xi32>
    %sign3A_18 = arith.cmpi sgt, %iota3A_14, %sign3A_17 : vector<400x8xi32>
    %sign3A_19 = arith.extui %sign3A_18 : vector<400x8xi1> to vector<400x8xi32>
    %sign3A_20 = arith.constant 0 : i32
    %sign3A_21 = vector.broadcast %sign3A_20 : i32 to vector<400x8xi32>
    %sign3A_22 = arith.cmpi slt, %iota3A_14, %sign3A_21 : vector<400x8xi32>
    %sign3A_23 = arith.extui %sign3A_22 : vector<400x8xi1> to vector<400x8xi32>
    %sign3A_24 = arith.subi %sign3A_19, %sign3A_23 : vector<400x8xi32>
    %sign3A_25 = arith.constant 0 : i32
    %sign3A_26 = arith.cmpi sgt, %jit3A, %sign3A_25 : i32
    %sign3A_27 = arith.extui %sign3A_26 : i1 to i32
    %sign3A_28 = arith.constant 0 : i32
    %sign3A_29 = arith.cmpi slt, %jit3A, %sign3A_28 : i32
    %sign3A_30 = arith.extui %sign3A_29 : i1 to i32
    %sign3A_31 = arith.subi %sign3A_27, %sign3A_30 : i32
    %ne3A = vector.broadcast %sign3A_31 : i32 to vector<400x8xi32>
    %ne3A_32 = arith.cmpi ne, %sign3A_24, %ne3A : vector<400x8xi32>
    %rem3A = vector.broadcast %jit3A : i32 to vector<400x8xi32>
    %rem3A_33 = arith.remsi %iota3A_14, %rem3A : vector<400x8xi32>
    %ne3A_34 = arith.constant 0 : i32
    %ne3A_35 = vector.broadcast %ne3A_34 : i32 to vector<400x8xi32>
    %ne3A_36 = arith.cmpi ne, %rem3A_33, %ne3A_35 : vector<400x8xi32>
    %and3A_37 = arith.andi %ne3A_32, %ne3A_36 : vector<400x8xi1>
    %sub3A_38 = arith.constant 1 : i32
    %sub3A_39 = vector.broadcast %sub3A_38 : i32 to vector<400x8xi32>
    %sub3A_40 = arith.subi %div3A_16, %sub3A_39 : vector<400x8xi32>
    %select_n3A = arith.select %and3A_37, %sub3A_40, %div3A_16 : vector<400x8xi1>, vector<400x8xi32>
    %add3A = arith.constant 0 : i32
    %add3A_41 = vector.broadcast %add3A : i32 to vector<400x8xi32>
    %add3A_42 = arith.addi %select_n3A, %add3A_41 : vector<400x8xi32>
    %jit3A_43 = arith.constant 50 : i32
    %eq3A = arith.constant 0 : i32
    %eq3A_44 = arith.cmpi eq, %jit3A_43, %eq3A : i32
    %jit3A_45 = arith.constant 1 : i32
    %select_n3A_46 = arith.select %eq3A_44, %jit3A_45, %jit3A_43 : i32
    %rem3A_47 = vector.broadcast %select_n3A_46 : i32 to vector<400x8xi32>
    %rem3A_48 = arith.remsi %iota3A_14, %rem3A_47 : vector<400x8xi32>
    %ne3A_49 = arith.constant 0 : i32
    %ne3A_50 = vector.broadcast %ne3A_49 : i32 to vector<400x8xi32>
    %ne3A_51 = arith.cmpi ne, %rem3A_48, %ne3A_50 : vector<400x8xi32>
    %lt3A = arith.constant 0 : i32
    %lt3A_52 = vector.broadcast %lt3A : i32 to vector<400x8xi32>
    %lt3A_53 = arith.cmpi slt, %rem3A_48, %lt3A_52 : vector<400x8xi32>
    %lt3A_54 = arith.constant 0 : i32
    %lt3A_55 = arith.cmpi slt, %select_n3A_46, %lt3A_54 : i32
    %ne3A_56 = vector.broadcast %lt3A_55 : i1 to vector<400x8xi1>
    %ne3A_57 = vector.broadcast %ne3A_56 : vector<400x8xi1> to vector<400x8xi1>
    %ne3A_58 = arith.xori %lt3A_53, %ne3A_57 : vector<400x8xi1>
    %and3A_59 = arith.andi %ne3A_58, %ne3A_51 : vector<400x8xi1>
    %add3A_60 = vector.broadcast %select_n3A_46 : i32 to vector<400x8xi32>
    %add3A_61 = arith.addi %rem3A_48, %add3A_60 : vector<400x8xi32>
    %select_n3A_62 = arith.select %and3A_59, %add3A_61, %rem3A_48 : vector<400x8xi1>, vector<400x8xi32>
    %jit3A_63 = arith.constant 5 : i32
    %div3A_64 = vector.broadcast %jit3A_63 : i32 to vector<400x8xi32>
    %div3A_65 = arith.divsi %select_n3A_62, %div3A_64 : vector<400x8xi32>
    %sign3A_66 = arith.constant 0 : i32
    %sign3A_67 = vector.broadcast %sign3A_66 : i32 to vector<400x8xi32>
    %sign3A_68 = arith.cmpi sgt, %select_n3A_62, %sign3A_67 : vector<400x8xi32>
    %sign3A_69 = arith.extui %sign3A_68 : vector<400x8xi1> to vector<400x8xi32>
    %sign3A_70 = arith.constant 0 : i32
    %sign3A_71 = vector.broadcast %sign3A_70 : i32 to vector<400x8xi32>
    %sign3A_72 = arith.cmpi slt, %select_n3A_62, %sign3A_71 : vector<400x8xi32>
    %sign3A_73 = arith.extui %sign3A_72 : vector<400x8xi1> to vector<400x8xi32>
    %sign3A_74 = arith.subi %sign3A_69, %sign3A_73 : vector<400x8xi32>
    %sign3A_75 = arith.constant 0 : i32
    %sign3A_76 = arith.cmpi sgt, %jit3A_63, %sign3A_75 : i32
    %sign3A_77 = arith.extui %sign3A_76 : i1 to i32
    %sign3A_78 = arith.constant 0 : i32
    %sign3A_79 = arith.cmpi slt, %jit3A_63, %sign3A_78 : i32
    %sign3A_80 = arith.extui %sign3A_79 : i1 to i32
    %sign3A_81 = arith.subi %sign3A_77, %sign3A_80 : i32
    %ne3A_82 = vector.broadcast %sign3A_81 : i32 to vector<400x8xi32>
    %ne3A_83 = arith.cmpi ne, %sign3A_74, %ne3A_82 : vector<400x8xi32>
    %rem3A_84 = vector.broadcast %jit3A_63 : i32 to vector<400x8xi32>
    %rem3A_85 = arith.remsi %select_n3A_62, %rem3A_84 : vector<400x8xi32>
    %ne3A_86 = arith.constant 0 : i32
    %ne3A_87 = vector.broadcast %ne3A_86 : i32 to vector<400x8xi32>
    %ne3A_88 = arith.cmpi ne, %rem3A_85, %ne3A_87 : vector<400x8xi32>
    %and3A_89 = arith.andi %ne3A_83, %ne3A_88 : vector<400x8xi1>
    %sub3A_90 = arith.constant 1 : i32
    %sub3A_91 = vector.broadcast %sub3A_90 : i32 to vector<400x8xi32>
    %sub3A_92 = arith.subi %div3A_65, %sub3A_91 : vector<400x8xi32>
    %select_n3A_93 = arith.select %and3A_89, %sub3A_92, %div3A_65 : vector<400x8xi1>, vector<400x8xi32>
    %add3A_94 = arith.constant 5 : i32
    %add3A_95 = vector.broadcast %add3A_94 : i32 to vector<400x8xi32>
    %add3A_96 = arith.addi %add3A_42, %add3A_95 : vector<400x8xi32>
    %min3A = arith.constant 79 : i32
    %min3A_97 = vector.broadcast %min3A : i32 to vector<400x8xi32>
    %min3A_98 = arith.minsi %add3A_96, %min3A_97 : vector<400x8xi32>
    %sub3A_99 = arith.constant 5 : i32
    %sub3A_100 = vector.broadcast %sub3A_99 : i32 to vector<400x8xi32>
    %sub3A_101 = arith.subi %add3A_42, %sub3A_100 : vector<400x8xi32>
    %max3A = arith.constant 0 : i32
    %max3A_102 = vector.broadcast %max3A : i32 to vector<400x8xi32>
    %max3A_103 = arith.maxsi %sub3A_101, %max3A_102 : vector<400x8xi32>
    %sub3A_104 = arith.subi %min3A_98, %max3A_103 : vector<400x8xi32>
    %eq3A_105 = arith.cmpi eq, %iota3A_15, %select_n3A : vector<400x8xi32>
    %lt3A_106 = arith.cmpi slt, %select_n3A_93, %sub3A_104 : vector<400x8xi32>
    %and3A_107 = arith.andi %eq3A_105, %lt3A_106 : vector<400x8xi1>
    %max3A_108 = arith.constant 0.000000e+00 : f32
    %max3A_109 = vector.broadcast %max3A_108 : f32 to vector<400x8xf32>
    %max3A_110 = arith.maximumf %dot_general3A_13, %max3A_109 : vector<400x8xf32>
    %abs3A_111 = math.absf %dot_general3A_13 : vector<400x8xf32>
    %neg3A = arith.constant 0.000000e+00 : f32
    %neg3A_112 = vector.broadcast %neg3A : f32 to vector<400x8xf32>
    %neg3A_113 = arith.subf %neg3A_112, %abs3A_111 : vector<400x8xf32>
    %exp3A = math.exp %neg3A_113 : vector<400x8xf32>
    %log1p3A = math.log1p %exp3A : vector<400x8xf32>
    %add3A_114 = arith.addf %max3A_110, %log1p3A : vector<400x8xf32>
    %jit3A_115 = arith.constant 0.000000e+00 : f32
    %broadcast_in_dim3A = vector.broadcast %jit3A_115 : f32 to vector<400x8xf32>
    %select_n3A_116 = arith.select %and3A_107, %add3A_114, %broadcast_in_dim3A : vector<400x8xi1>, vector<400x8xf32>
    %reduce_sum3A = vector.shape_cast %select_n3A_116 : vector<400x8xf32> to vector<1x400x8xf32>
    %reduce_sum3A_117 = arith.constant dense<0.000000e+00> : vector<1xf32>
    %reduce_sum3A_118 = vector.multi_reduction <add>, %reduce_sum3A, %reduce_sum3A_117 [1, 2] : vector<1x400x8xf32> to vector<1xf32>
    %reduce_sum3A_119 = vector.shape_cast %reduce_sum3A_118 : vector<1xf32> to vector<1x1x1xf32>
    %reduce_sum3A_120 = vector.extract %reduce_sum3A_119[0, 0, 0] : f32 from vector<1x1x1xf32>
    %add3A_121 = arith.constant 0.000000e+00 : f32
    %add3A_122 = arith.addf %add3A_121, %reduce_sum3A_120 : f32
    %slice3A_123 = vector.extract_strided_slice %get3A_4 {offsets = [400, 0], sizes = [400, 128], strides = [1, 1]} : vector<4000x128xf32> to vector<400x128xf32>
    %slice3A_124 = vector.extract_strided_slice %get3A_1 {offsets = [8, 0], sizes = [8, 128], strides = [1, 1]} : vector<80x128xf32> to vector<8x128xf32>
    %dot_general3A_125 = arith.constant dense<0.000000e+00> : vector<400x8xf32>
    %dot_general3A_126 = tpu.matmul %slice3A_123, %slice3A_124, %dot_general3A_125 {dimension_numbers = #tpu.dot_dimension_numbers<[1], [1], [0], [0], [0, 0, 1, 0], [], []>, transpose_lhs_hint = false} : vector<400x128xf32>, vector<8x128xf32>, vector<400x8xf32> -> vector<400x8xf32>
    %iota3A_127 = tpu.iota {dimensions = array<i32: 0>} : vector<400x8xi32>
    %iota3A_128 = tpu.iota {dimensions = array<i32: 1>} : vector<400x8xi32>
    %jit3A_129 = arith.constant 50 : i32
    %div3A_130 = vector.broadcast %jit3A_129 : i32 to vector<400x8xi32>
    %div3A_131 = arith.divsi %iota3A_127, %div3A_130 : vector<400x8xi32>
    %sign3A_132 = arith.constant 0 : i32
    %sign3A_133 = vector.broadcast %sign3A_132 : i32 to vector<400x8xi32>
    %sign3A_134 = arith.cmpi sgt, %iota3A_127, %sign3A_133 : vector<400x8xi32>
    %sign3A_135 = arith.extui %sign3A_134 : vector<400x8xi1> to vector<400x8xi32>
    %sign3A_136 = arith.constant 0 : i32
    %sign3A_137 = vector.broadcast %sign3A_136 : i32 to vector<400x8xi32>
    %sign3A_138 = arith.cmpi slt, %iota3A_127, %sign3A_137 : vector<400x8xi32>
    %sign3A_139 = arith.extui %sign3A_138 : vector<400x8xi1> to vector<400x8xi32>
    %sign3A_140 = arith.subi %sign3A_135, %sign3A_139 : vector<400x8xi32>
    %sign3A_141 = arith.constant 0 : i32
    %sign3A_142 = arith.cmpi sgt, %jit3A_129, %sign3A_141 : i32
    %sign3A_143 = arith.extui %sign3A_142 : i1 to i32
    %sign3A_144 = arith.constant 0 : i32
    %sign3A_145 = arith.cmpi slt, %jit3A_129, %sign3A_144 : i32
    %sign3A_146 = arith.extui %sign3A_145 : i1 to i32
    %sign3A_147 = arith.subi %sign3A_143, %sign3A_146 : i32
    %ne3A_148 = vector.broadcast %sign3A_147 : i32 to vector<400x8xi32>
    %ne3A_149 = arith.cmpi ne, %sign3A_140, %ne3A_148 : vector<400x8xi32>
    %rem3A_150 = vector.broadcast %jit3A_129 : i32 to vector<400x8xi32>
    %rem3A_151 = arith.remsi %iota3A_127, %rem3A_150 : vector<400x8xi32>
    %ne3A_152 = arith.constant 0 : i32
    %ne3A_153 = vector.broadcast %ne3A_152 : i32 to vector<400x8xi32>
    %ne3A_154 = arith.cmpi ne, %rem3A_151, %ne3A_153 : vector<400x8xi32>
    %and3A_155 = arith.andi %ne3A_149, %ne3A_154 : vector<400x8xi1>
    %sub3A_156 = arith.constant 1 : i32
    %sub3A_157 = vector.broadcast %sub3A_156 : i32 to vector<400x8xi32>
    %sub3A_158 = arith.subi %div3A_131, %sub3A_157 : vector<400x8xi32>
    %select_n3A_159 = arith.select %and3A_155, %sub3A_158, %div3A_131 : vector<400x8xi1>, vector<400x8xi32>
    %add3A_160 = arith.constant 8 : i32
    %add3A_161 = vector.broadcast %add3A_160 : i32 to vector<400x8xi32>
    %add3A_162 = arith.addi %select_n3A_159, %add3A_161 : vector<400x8xi32>
    %jit3A_163 = arith.constant 50 : i32
    %eq3A_164 = arith.constant 0 : i32
    %eq3A_165 = arith.cmpi eq, %jit3A_163, %eq3A_164 : i32
    %jit3A_166 = arith.constant 1 : i32
    %select_n3A_167 = arith.select %eq3A_165, %jit3A_166, %jit3A_163 : i32
    %rem3A_168 = vector.broadcast %select_n3A_167 : i32 to vector<400x8xi32>
    %rem3A_169 = arith.remsi %iota3A_127, %rem3A_168 : vector<400x8xi32>
    %ne3A_170 = arith.constant 0 : i32
    %ne3A_171 = vector.broadcast %ne3A_170 : i32 to vector<400x8xi32>
    %ne3A_172 = arith.cmpi ne, %rem3A_169, %ne3A_171 : vector<400x8xi32>
    %lt3A_173 = arith.constant 0 : i32
    %lt3A_174 = vector.broadcast %lt3A_173 : i32 to vector<400x8xi32>
    %lt3A_175 = arith.cmpi slt, %rem3A_169, %lt3A_174 : vector<400x8xi32>
    %lt3A_176 = arith.constant 0 : i32
    %lt3A_177 = arith.cmpi slt, %select_n3A_167, %lt3A_176 : i32
    %ne3A_178 = vector.broadcast %lt3A_177 : i1 to vector<400x8xi1>
    %ne3A_179 = vector.broadcast %ne3A_178 : vector<400x8xi1> to vector<400x8xi1>
    %ne3A_180 = arith.xori %lt3A_175, %ne3A_179 : vector<400x8xi1>
    %and3A_181 = arith.andi %ne3A_180, %ne3A_172 : vector<400x8xi1>
    %add3A_182 = vector.broadcast %select_n3A_167 : i32 to vector<400x8xi32>
    %add3A_183 = arith.addi %rem3A_169, %add3A_182 : vector<400x8xi32>
    %select_n3A_184 = arith.select %and3A_181, %add3A_183, %rem3A_169 : vector<400x8xi1>, vector<400x8xi32>
    %jit3A_185 = arith.constant 5 : i32
    %div3A_186 = vector.broadcast %jit3A_185 : i32 to vector<400x8xi32>
    %div3A_187 = arith.divsi %select_n3A_184, %div3A_186 : vector<400x8xi32>
    %sign3A_188 = arith.constant 0 : i32
    %sign3A_189 = vector.broadcast %sign3A_188 : i32 to vector<400x8xi32>
    %sign3A_190 = arith.cmpi sgt, %select_n3A_184, %sign3A_189 : vector<400x8xi32>
    %sign3A_191 = arith.extui %sign3A_190 : vector<400x8xi1> to vector<400x8xi32>
    %sign3A_192 = arith.constant 0 : i32
    %sign3A_193 = vector.broadcast %sign3A_192 : i32 to vector<400x8xi32>
    %sign3A_194 = arith.cmpi slt, %select_n3A_184, %sign3A_193 : vector<400x8xi32>
    %sign3A_195 = arith.extui %sign3A_194 : vector<400x8xi1> to vector<400x8xi32>
    %sign3A_196 = arith.subi %sign3A_191, %sign3A_195 : vector<400x8xi32>
    %sign3A_197 = arith.constant 0 : i32
    %sign3A_198 = arith.cmpi sgt, %jit3A_185, %sign3A_197 : i32
    %sign3A_199 = arith.extui %sign3A_198 : i1 to i32
    %sign3A_200 = arith.constant 0 : i32
    %sign3A_201 = arith.cmpi slt, %jit3A_185, %sign3A_200 : i32
    %sign3A_202 = arith.extui %sign3A_201 : i1 to i32
    %sign3A_203 = arith.subi %sign3A_199, %sign3A_202 : i32
    %ne3A_204 = vector.broadcast %sign3A_203 : i32 to vector<400x8xi32>
    %ne3A_205 = arith.cmpi ne, %sign3A_196, %ne3A_204 : vector<400x8xi32>
    %rem3A_206 = vector.broadcast %jit3A_185 : i32 to vector<400x8xi32>
    %rem3A_207 = arith.remsi %select_n3A_184, %rem3A_206 : vector<400x8xi32>
    %ne3A_208 = arith.constant 0 : i32
    %ne3A_209 = vector.broadcast %ne3A_208 : i32 to vector<400x8xi32>
    %ne3A_210 = arith.cmpi ne, %rem3A_207, %ne3A_209 : vector<400x8xi32>
    %and3A_211 = arith.andi %ne3A_205, %ne3A_210 : vector<400x8xi1>
    %sub3A_212 = arith.constant 1 : i32
    %sub3A_213 = vector.broadcast %sub3A_212 : i32 to vector<400x8xi32>
    %sub3A_214 = arith.subi %div3A_187, %sub3A_213 : vector<400x8xi32>
    %select_n3A_215 = arith.select %and3A_211, %sub3A_214, %div3A_187 : vector<400x8xi1>, vector<400x8xi32>
    %add3A_216 = arith.constant 5 : i32
    %add3A_217 = vector.broadcast %add3A_216 : i32 to vector<400x8xi32>
    %add3A_218 = arith.addi %add3A_162, %add3A_217 : vector<400x8xi32>
    %min3A_219 = arith.constant 79 : i32
    %min3A_220 = vector.broadcast %min3A_219 : i32 to vector<400x8xi32>
    %min3A_221 = arith.minsi %add3A_218, %min3A_220 : vector<400x8xi32>
    %sub3A_222 = arith.constant 5 : i32
    %sub3A_223 = vector.broadcast %sub3A_222 : i32 to vector<400x8xi32>
    %sub3A_224 = arith.subi %add3A_162, %sub3A_223 : vector<400x8xi32>
    %max3A_225 = arith.constant 0 : i32
    %max3A_226 = vector.broadcast %max3A_225 : i32 to vector<400x8xi32>
    %max3A_227 = arith.maxsi %sub3A_224, %max3A_226 : vector<400x8xi32>
    %sub3A_228 = arith.subi %min3A_221, %max3A_227 : vector<400x8xi32>
    %eq3A_229 = arith.cmpi eq, %iota3A_128, %select_n3A_159 : vector<400x8xi32>
    %lt3A_230 = arith.cmpi slt, %select_n3A_215, %sub3A_228 : vector<400x8xi32>
    %and3A_231 = arith.andi %eq3A_229, %lt3A_230 : vector<400x8xi1>
    %max3A_232 = arith.constant 0.000000e+00 : f32
    %max3A_233 = vector.broadcast %max3A_232 : f32 to vector<400x8xf32>
    %max3A_234 = arith.maximumf %dot_general3A_126, %max3A_233 : vector<400x8xf32>
    %abs3A_235 = math.absf %dot_general3A_126 : vector<400x8xf32>
    %neg3A_236 = arith.constant 0.000000e+00 : f32
    %neg3A_237 = vector.broadcast %neg3A_236 : f32 to vector<400x8xf32>
    %neg3A_238 = arith.subf %neg3A_237, %abs3A_235 : vector<400x8xf32>
    %exp3A_239 = math.exp %neg3A_238 : vector<400x8xf32>
    %log1p3A_240 = math.log1p %exp3A_239 : vector<400x8xf32>
    %add3A_241 = arith.addf %max3A_234, %log1p3A_240 : vector<400x8xf32>
    %jit3A_242 = arith.constant 0.000000e+00 : f32
    %broadcast_in_dim3A_243 = vector.broadcast %jit3A_242 : f32 to vector<400x8xf32>
    %select_n3A_244 = arith.select %and3A_231, %add3A_241, %broadcast_in_dim3A_243 : vector<400x8xi1>, vector<400x8xf32>
    %reduce_sum3A_245 = vector.shape_cast %select_n3A_244 : vector<400x8xf32> to vector<1x400x8xf32>
    %reduce_sum3A_246 = arith.constant dense<0.000000e+00> : vector<1xf32>
    %reduce_sum3A_247 = vector.multi_reduction <add>, %reduce_sum3A_245, %reduce_sum3A_246 [1, 2] : vector<1x400x8xf32> to vector<1xf32>
    %reduce_sum3A_248 = vector.shape_cast %reduce_sum3A_247 : vector<1xf32> to vector<1x1x1xf32>
    %reduce_sum3A_249 = vector.extract %reduce_sum3A_248[0, 0, 0] : f32 from vector<1x1x1xf32>
    %add3A_250 = arith.addf %add3A_122, %reduce_sum3A_249 : f32
    %slice3A_251 = vector.extract_strided_slice %get3A_4 {offsets = [800, 0], sizes = [400, 128], strides = [1, 1]} : vector<4000x128xf32> to vector<400x128xf32>
    %slice3A_252 = vector.extract_strided_slice %get3A_1 {offsets = [16, 0], sizes = [8, 128], strides = [1, 1]} : vector<80x128xf32> to vector<8x128xf32>
    %dot_general3A_253 = arith.constant dense<0.000000e+00> : vector<400x8xf32>
    %dot_general3A_254 = tpu.matmul %slice3A_251, %slice3A_252, %dot_general3A_253 {dimension_numbers = #tpu.dot_dimension_numbers<[1], [1], [0], [0], [0, 0, 1, 0], [], []>, transpose_lhs_hint = false} : vector<400x128xf32>, vector<8x128xf32>, vector<400x8xf32> -> vector<400x8xf32>
    %iota3A_255 = tpu.iota {dimensions = array<i32: 0>} : vector<400x8xi32>
    %iota3A_256 = tpu.iota {dimensions = array<i32: 1>} : vector<400x8xi32>
    %jit3A_257 = arith.constant 50 : i32
    %div3A_258 = vector.broadcast %jit3A_257 : i32 to vector<400x8xi32>
    %div3A_259 = arith.divsi %iota3A_255, %div3A_258 : vector<400x8xi32>
    %sign3A_260 = arith.constant 0 : i32
    %sign3A_261 = vector.broadcast %sign3A_260 : i32 to vector<400x8xi32>
    %sign3A_262 = arith.cmpi sgt, %iota3A_255, %sign3A_261 : vector<400x8xi32>
    %sign3A_263 = arith.extui %sign3A_262 : vector<400x8xi1> to vector<400x8xi32>
    %sign3A_264 = arith.constant 0 : i32
    %sign3A_265 = vector.broadcast %sign3A_264 : i32 to vector<400x8xi32>
    %sign3A_266 = arith.cmpi slt, %iota3A_255, %sign3A_265 : vector<400x8xi32>
    %sign3A_267 = arith.extui %sign3A_266 : vector<400x8xi1> to vector<400x8xi32>
    %sign3A_268 = arith.subi %sign3A_263, %sign3A_267 : vector<400x8xi32>
    %sign3A_269 = arith.constant 0 : i32
    %sign3A_270 = arith.cmpi sgt, %jit3A_257, %sign3A_269 : i32
    %sign3A_271 = arith.extui %sign3A_270 : i1 to i32
    %sign3A_272 = arith.constant 0 : i32
    %sign3A_273 = arith.cmpi slt, %jit3A_257, %sign3A_272 : i32
    %sign3A_274 = arith.extui %sign3A_273 : i1 to i32
    %sign3A_275 = arith.subi %sign3A_271, %sign3A_274 : i32
    %ne3A_276 = vector.broadcast %sign3A_275 : i32 to vector<400x8xi32>
    %ne3A_277 = arith.cmpi ne, %sign3A_268, %ne3A_276 : vector<400x8xi32>
    %rem3A_278 = vector.broadcast %jit3A_257 : i32 to vector<400x8xi32>
    %rem3A_279 = arith.remsi %iota3A_255, %rem3A_278 : vector<400x8xi32>
    %ne3A_280 = arith.constant 0 : i32
    %ne3A_281 = vector.broadcast %ne3A_280 : i32 to vector<400x8xi32>
    %ne3A_282 = arith.cmpi ne, %rem3A_279, %ne3A_281 : vector<400x8xi32>
    %and3A_283 = arith.andi %ne3A_277, %ne3A_282 : vector<400x8xi1>
    %sub3A_284 = arith.constant 1 : i32
    %sub3A_285 = vector.broadcast %sub3A_284 : i32 to vector<400x8xi32>
    %sub3A_286 = arith.subi %div3A_259, %sub3A_285 : vector<400x8xi32>
    %select_n3A_287 = arith.select %and3A_283, %sub3A_286, %div3A_259 : vector<400x8xi1>, vector<400x8xi32>
    %add3A_288 = arith.constant 16 : i32
    %add3A_289 = vector.broadcast %add3A_288 : i32 to vector<400x8xi32>
    %add3A_290 = arith.addi %select_n3A_287, %add3A_289 : vector<400x8xi32>
    %jit3A_291 = arith.constant 50 : i32
    %eq3A_292 = arith.constant 0 : i32
    %eq3A_293 = arith.cmpi eq, %jit3A_291, %eq3A_292 : i32
    %jit3A_294 = arith.constant 1 : i32
    %select_n3A_295 = arith.select %eq3A_293, %jit3A_294, %jit3A_291 : i32
    %rem3A_296 = vector.broadcast %select_n3A_295 : i32 to vector<400x8xi32>
    %rem3A_297 = arith.remsi %iota3A_255, %rem3A_296 : vector<400x8xi32>
    %ne3A_298 = arith.constant 0 : i32
    %ne3A_299 = vector.broadcast %ne3A_298 : i32 to vector<400x8xi32>
    %ne3A_300 = arith.cmpi ne, %rem3A_297, %ne3A_299 : vector<400x8xi32>
    %lt3A_301 = arith.constant 0 : i32
    %lt3A_302 = vector.broadcast %lt3A_301 : i32 to vector<400x8xi32>
    %lt3A_303 = arith.cmpi slt, %rem3A_297, %lt3A_302 : vector<400x8xi32>
    %lt3A_304 = arith.constant 0 : i32
    %lt3A_305 = arith.cmpi slt, %select_n3A_295, %lt3A_304 : i32
    %ne3A_306 = vector.broadcast %lt3A_305 : i1 to vector<400x8xi1>
    %ne3A_307 = vector.broadcast %ne3A_306 : vector<400x8xi1> to vector<400x8xi1>
    %ne3A_308 = arith.xori %lt3A_303, %ne3A_307 : vector<400x8xi1>
    %and3A_309 = arith.andi %ne3A_308, %ne3A_300 : vector<400x8xi1>
    %add3A_310 = vector.broadcast %select_n3A_295 : i32 to vector<400x8xi32>
    %add3A_311 = arith.addi %rem3A_297, %add3A_310 : vector<400x8xi32>
    %select_n3A_312 = arith.select %and3A_309, %add3A_311, %rem3A_297 : vector<400x8xi1>, vector<400x8xi32>
    %jit3A_313 = arith.constant 5 : i32
    %div3A_314 = vector.broadcast %jit3A_313 : i32 to vector<400x8xi32>
    %div3A_315 = arith.divsi %select_n3A_312, %div3A_314 : vector<400x8xi32>
    %sign3A_316 = arith.constant 0 : i32
    %sign3A_317 = vector.broadcast %sign3A_316 : i32 to vector<400x8xi32>
    %sign3A_318 = arith.cmpi sgt, %select_n3A_312, %sign3A_317 : vector<400x8xi32>
    %sign3A_319 = arith.extui %sign3A_318 : vector<400x8xi1> to vector<400x8xi32>
    %sign3A_320 = arith.constant 0 : i32
    %sign3A_321 = vector.broadcast %sign3A_320 : i32 to vector<400x8xi32>
    %sign3A_322 = arith.cmpi slt, %select_n3A_312, %sign3A_321 : vector<400x8xi32>
    %sign3A_323 = arith.extui %sign3A_322 : vector<400x8xi1> to vector<400x8xi32>
    %sign3A_324 = arith.subi %sign3A_319, %sign3A_323 : vector<400x8xi32>
    %sign3A_325 = arith.constant 0 : i32
    %sign3A_326 = arith.cmpi sgt, %jit3A_313, %sign3A_325 : i32
    %sign3A_327 = arith.extui %sign3A_326 : i1 to i32
    %sign3A_328 = arith.constant 0 : i32
    %sign3A_329 = arith.cmpi slt, %jit3A_313, %sign3A_328 : i32
    %sign3A_330 = arith.extui %sign3A_329 : i1 to i32
    %sign3A_331 = arith.subi %sign3A_327, %sign3A_330 : i32
    %ne3A_332 = vector.broadcast %sign3A_331 : i32 to vector<400x8xi32>
    %ne3A_333 = arith.cmpi ne, %sign3A_324, %ne3A_332 : vector<400x8xi32>
    %rem3A_334 = vector.broadcast %jit3A_313 : i32 to vector<400x8xi32>
    %rem3A_335 = arith.remsi %select_n3A_312, %rem3A_334 : vector<400x8xi32>
    %ne3A_336 = arith.constant 0 : i32
    %ne3A_337 = vector.broadcast %ne3A_336 : i32 to vector<400x8xi32>
    %ne3A_338 = arith.cmpi ne, %rem3A_335, %ne3A_337 : vector<400x8xi32>
    %and3A_339 = arith.andi %ne3A_333, %ne3A_338 : vector<400x8xi1>
    %sub3A_340 = arith.constant 1 : i32
    %sub3A_341 = vector.broadcast %sub3A_340 : i32 to vector<400x8xi32>
    %sub3A_342 = arith.subi %div3A_315, %sub3A_341 : vector<400x8xi32>
    %select_n3A_343 = arith.select %and3A_339, %sub3A_342, %div3A_315 : vector<400x8xi1>, vector<400x8xi32>
    %add3A_344 = arith.constant 5 : i32
    %add3A_345 = vector.broadcast %add3A_344 : i32 to vector<400x8xi32>
    %add3A_346 = arith.addi %add3A_290, %add3A_345 : vector<400x8xi32>
    %min3A_347 = arith.constant 79 : i32
    %min3A_348 = vector.broadcast %min3A_347 : i32 to vector<400x8xi32>
    %min3A_349 = arith.minsi %add3A_346, %min3A_348 : vector<400x8xi32>
    %sub3A_350 = arith.constant 5 : i32
    %sub3A_351 = vector.broadcast %sub3A_350 : i32 to vector<400x8xi32>
    %sub3A_352 = arith.subi %add3A_290, %sub3A_351 : vector<400x8xi32>
    %max3A_353 = arith.constant 0 : i32
    %max3A_354 = vector.broadcast %max3A_353 : i32 to vector<400x8xi32>
    %max3A_355 = arith.maxsi %sub3A_352, %max3A_354 : vector<400x8xi32>
    %sub3A_356 = arith.subi %min3A_349, %max3A_355 : vector<400x8xi32>
    %eq3A_357 = arith.cmpi eq, %iota3A_256, %select_n3A_287 : vector<400x8xi32>
    %lt3A_358 = arith.cmpi slt, %select_n3A_343, %sub3A_356 : vector<400x8xi32>
    %and3A_359 = arith.andi %eq3A_357, %lt3A_358 : vector<400x8xi1>
    %max3A_360 = arith.constant 0.000000e+00 : f32
    %max3A_361 = vector.broadcast %max3A_360 : f32 to vector<400x8xf32>
    %max3A_362 = arith.maximumf %dot_general3A_254, %max3A_361 : vector<400x8xf32>
    %abs3A_363 = math.absf %dot_general3A_254 : vector<400x8xf32>
    %neg3A_364 = arith.constant 0.000000e+00 : f32
    %neg3A_365 = vector.broadcast %neg3A_364 : f32 to vector<400x8xf32>
    %neg3A_366 = arith.subf %neg3A_365, %abs3A_363 : vector<400x8xf32>
    %exp3A_367 = math.exp %neg3A_366 : vector<400x8xf32>
    %log1p3A_368 = math.log1p %exp3A_367 : vector<400x8xf32>
    %add3A_369 = arith.addf %max3A_362, %log1p3A_368 : vector<400x8xf32>
    %jit3A_370 = arith.constant 0.000000e+00 : f32
    %broadcast_in_dim3A_371 = vector.broadcast %jit3A_370 : f32 to vector<400x8xf32>
    %select_n3A_372 = arith.select %and3A_359, %add3A_369, %broadcast_in_dim3A_371 : vector<400x8xi1>, vector<400x8xf32>
    %reduce_sum3A_373 = vector.shape_cast %select_n3A_372 : vector<400x8xf32> to vector<1x400x8xf32>
    %reduce_sum3A_374 = arith.constant dense<0.000000e+00> : vector<1xf32>
    %reduce_sum3A_375 = vector.multi_reduction <add>, %reduce_sum3A_373, %reduce_sum3A_374 [1, 2] : vector<1x400x8xf32> to vector<1xf32>
    %reduce_sum3A_376 = vector.shape_cast %reduce_sum3A_375 : vector<1xf32> to vector<1x1x1xf32>
    %reduce_sum3A_377 = vector.extract %reduce_sum3A_376[0, 0, 0] : f32 from vector<1x1x1xf32>
    %add3A_378 = arith.addf %add3A_250, %reduce_sum3A_377 : f32
    %slice3A_379 = vector.extract_strided_slice %get3A_4 {offsets = [1200, 0], sizes = [400, 128], strides = [1, 1]} : vector<4000x128xf32> to vector<400x128xf32>
    %slice3A_380 = vector.extract_strided_slice %get3A_1 {offsets = [24, 0], sizes = [8, 128], strides = [1, 1]} : vector<80x128xf32> to vector<8x128xf32>
    %dot_general3A_381 = arith.constant dense<0.000000e+00> : vector<400x8xf32>
    %dot_general3A_382 = tpu.matmul %slice3A_379, %slice3A_380, %dot_general3A_381 {dimension_numbers = #tpu.dot_dimension_numbers<[1], [1], [0], [0], [0, 0, 1, 0], [], []>, transpose_lhs_hint = false} : vector<400x128xf32>, vector<8x128xf32>, vector<400x8xf32> -> vector<400x8xf32>
    %iota3A_383 = tpu.iota {dimensions = array<i32: 0>} : vector<400x8xi32>
    %iota3A_384 = tpu.iota {dimensions = array<i32: 1>} : vector<400x8xi32>
    %jit3A_385 = arith.constant 50 : i32
    %div3A_386 = vector.broadcast %jit3A_385 : i32 to vector<400x8xi32>
    %div3A_387 = arith.divsi %iota3A_383, %div3A_386 : vector<400x8xi32>
    %sign3A_388 = arith.constant 0 : i32
    %sign3A_389 = vector.broadcast %sign3A_388 : i32 to vector<400x8xi32>
    %sign3A_390 = arith.cmpi sgt, %iota3A_383, %sign3A_389 : vector<400x8xi32>
    %sign3A_391 = arith.extui %sign3A_390 : vector<400x8xi1> to vector<400x8xi32>
    %sign3A_392 = arith.constant 0 : i32
    %sign3A_393 = vector.broadcast %sign3A_392 : i32 to vector<400x8xi32>
    %sign3A_394 = arith.cmpi slt, %iota3A_383, %sign3A_393 : vector<400x8xi32>
    %sign3A_395 = arith.extui %sign3A_394 : vector<400x8xi1> to vector<400x8xi32>
    %sign3A_396 = arith.subi %sign3A_391, %sign3A_395 : vector<400x8xi32>
    %sign3A_397 = arith.constant 0 : i32
    %sign3A_398 = arith.cmpi sgt, %jit3A_385, %sign3A_397 : i32
    %sign3A_399 = arith.extui %sign3A_398 : i1 to i32
    %sign3A_400 = arith.constant 0 : i32
    %sign3A_401 = arith.cmpi slt, %jit3A_385, %sign3A_400 : i32
    %sign3A_402 = arith.extui %sign3A_401 : i1 to i32
    %sign3A_403 = arith.subi %sign3A_399, %sign3A_402 : i32
    %ne3A_404 = vector.broadcast %sign3A_403 : i32 to vector<400x8xi32>
    %ne3A_405 = arith.cmpi ne, %sign3A_396, %ne3A_404 : vector<400x8xi32>
    %rem3A_406 = vector.broadcast %jit3A_385 : i32 to vector<400x8xi32>
    %rem3A_407 = arith.remsi %iota3A_383, %rem3A_406 : vector<400x8xi32>
    %ne3A_408 = arith.constant 0 : i32
    %ne3A_409 = vector.broadcast %ne3A_408 : i32 to vector<400x8xi32>
    %ne3A_410 = arith.cmpi ne, %rem3A_407, %ne3A_409 : vector<400x8xi32>
    %and3A_411 = arith.andi %ne3A_405, %ne3A_410 : vector<400x8xi1>
    %sub3A_412 = arith.constant 1 : i32
    %sub3A_413 = vector.broadcast %sub3A_412 : i32 to vector<400x8xi32>
    %sub3A_414 = arith.subi %div3A_387, %sub3A_413 : vector<400x8xi32>
    %select_n3A_415 = arith.select %and3A_411, %sub3A_414, %div3A_387 : vector<400x8xi1>, vector<400x8xi32>
    %add3A_416 = arith.constant 24 : i32
    %add3A_417 = vector.broadcast %add3A_416 : i32 to vector<400x8xi32>
    %add3A_418 = arith.addi %select_n3A_415, %add3A_417 : vector<400x8xi32>
    %jit3A_419 = arith.constant 50 : i32
    %eq3A_420 = arith.constant 0 : i32
    %eq3A_421 = arith.cmpi eq, %jit3A_419, %eq3A_420 : i32
    %jit3A_422 = arith.constant 1 : i32
    %select_n3A_423 = arith.select %eq3A_421, %jit3A_422, %jit3A_419 : i32
    %rem3A_424 = vector.broadcast %select_n3A_423 : i32 to vector<400x8xi32>
    %rem3A_425 = arith.remsi %iota3A_383, %rem3A_424 : vector<400x8xi32>
    %ne3A_426 = arith.constant 0 : i32
    %ne3A_427 = vector.broadcast %ne3A_426 : i32 to vector<400x8xi32>
    %ne3A_428 = arith.cmpi ne, %rem3A_425, %ne3A_427 : vector<400x8xi32>
    %lt3A_429 = arith.constant 0 : i32
    %lt3A_430 = vector.broadcast %lt3A_429 : i32 to vector<400x8xi32>
    %lt3A_431 = arith.cmpi slt, %rem3A_425, %lt3A_430 : vector<400x8xi32>
    %lt3A_432 = arith.constant 0 : i32
    %lt3A_433 = arith.cmpi slt, %select_n3A_423, %lt3A_432 : i32
    %ne3A_434 = vector.broadcast %lt3A_433 : i1 to vector<400x8xi1>
    %ne3A_435 = vector.broadcast %ne3A_434 : vector<400x8xi1> to vector<400x8xi1>
    %ne3A_436 = arith.xori %lt3A_431, %ne3A_435 : vector<400x8xi1>
    %and3A_437 = arith.andi %ne3A_436, %ne3A_428 : vector<400x8xi1>
    %add3A_438 = vector.broadcast %select_n3A_423 : i32 to vector<400x8xi32>
    %add3A_439 = arith.addi %rem3A_425, %add3A_438 : vector<400x8xi32>
    %select_n3A_440 = arith.select %and3A_437, %add3A_439, %rem3A_425 : vector<400x8xi1>, vector<400x8xi32>
    %jit3A_441 = arith.constant 5 : i32
    %div3A_442 = vector.broadcast %jit3A_441 : i32 to vector<400x8xi32>
    %div3A_443 = arith.divsi %select_n3A_440, %div3A_442 : vector<400x8xi32>
    %sign3A_444 = arith.constant 0 : i32
    %sign3A_445 = vector.broadcast %sign3A_444 : i32 to vector<400x8xi32>
    %sign3A_446 = arith.cmpi sgt, %select_n3A_440, %sign3A_445 : vector<400x8xi32>
    %sign3A_447 = arith.extui %sign3A_446 : vector<400x8xi1> to vector<400x8xi32>
    %sign3A_448 = arith.constant 0 : i32
    %sign3A_449 = vector.broadcast %sign3A_448 : i32 to vector<400x8xi32>
    %sign3A_450 = arith.cmpi slt, %select_n3A_440, %sign3A_449 : vector<400x8xi32>
    %sign3A_451 = arith.extui %sign3A_450 : vector<400x8xi1> to vector<400x8xi32>
    %sign3A_452 = arith.subi %sign3A_447, %sign3A_451 : vector<400x8xi32>
    %sign3A_453 = arith.constant 0 : i32
    %sign3A_454 = arith.cmpi sgt, %jit3A_441, %sign3A_453 : i32
    %sign3A_455 = arith.extui %sign3A_454 : i1 to i32
    %sign3A_456 = arith.constant 0 : i32
    %sign3A_457 = arith.cmpi slt, %jit3A_441, %sign3A_456 : i32
    %sign3A_458 = arith.extui %sign3A_457 : i1 to i32
    %sign3A_459 = arith.subi %sign3A_455, %sign3A_458 : i32
    %ne3A_460 = vector.broadcast %sign3A_459 : i32 to vector<400x8xi32>
    %ne3A_461 = arith.cmpi ne, %sign3A_452, %ne3A_460 : vector<400x8xi32>
    %rem3A_462 = vector.broadcast %jit3A_441 : i32 to vector<400x8xi32>
    %rem3A_463 = arith.remsi %select_n3A_440, %rem3A_462 : vector<400x8xi32>
    %ne3A_464 = arith.constant 0 : i32
    %ne3A_465 = vector.broadcast %ne3A_464 : i32 to vector<400x8xi32>
    %ne3A_466 = arith.cmpi ne, %rem3A_463, %ne3A_465 : vector<400x8xi32>
    %and3A_467 = arith.andi %ne3A_461, %ne3A_466 : vector<400x8xi1>
    %sub3A_468 = arith.constant 1 : i32
    %sub3A_469 = vector.broadcast %sub3A_468 : i32 to vector<400x8xi32>
    %sub3A_470 = arith.subi %div3A_443, %sub3A_469 : vector<400x8xi32>
    %select_n3A_471 = arith.select %and3A_467, %sub3A_470, %div3A_443 : vector<400x8xi1>, vector<400x8xi32>
    %add3A_472 = arith.constant 5 : i32
    %add3A_473 = vector.broadcast %add3A_472 : i32 to vector<400x8xi32>
    %add3A_474 = arith.addi %add3A_418, %add3A_473 : vector<400x8xi32>
    %min3A_475 = arith.constant 79 : i32
    %min3A_476 = vector.broadcast %min3A_475 : i32 to vector<400x8xi32>
    %min3A_477 = arith.minsi %add3A_474, %min3A_476 : vector<400x8xi32>
    %sub3A_478 = arith.constant 5 : i32
    %sub3A_479 = vector.broadcast %sub3A_478 : i32 to vector<400x8xi32>
    %sub3A_480 = arith.subi %add3A_418, %sub3A_479 : vector<400x8xi32>
    %max3A_481 = arith.constant 0 : i32
    %max3A_482 = vector.broadcast %max3A_481 : i32 to vector<400x8xi32>
    %max3A_483 = arith.maxsi %sub3A_480, %max3A_482 : vector<400x8xi32>
    %sub3A_484 = arith.subi %min3A_477, %max3A_483 : vector<400x8xi32>
    %eq3A_485 = arith.cmpi eq, %iota3A_384, %select_n3A_415 : vector<400x8xi32>
    %lt3A_486 = arith.cmpi slt, %select_n3A_471, %sub3A_484 : vector<400x8xi32>
    %and3A_487 = arith.andi %eq3A_485, %lt3A_486 : vector<400x8xi1>
    %max3A_488 = arith.constant 0.000000e+00 : f32
    %max3A_489 = vector.broadcast %max3A_488 : f32 to vector<400x8xf32>
    %max3A_490 = arith.maximumf %dot_general3A_382, %max3A_489 : vector<400x8xf32>
    %abs3A_491 = math.absf %dot_general3A_382 : vector<400x8xf32>
    %neg3A_492 = arith.constant 0.000000e+00 : f32
    %neg3A_493 = vector.broadcast %neg3A_492 : f32 to vector<400x8xf32>
    %neg3A_494 = arith.subf %neg3A_493, %abs3A_491 : vector<400x8xf32>
    %exp3A_495 = math.exp %neg3A_494 : vector<400x8xf32>
    %log1p3A_496 = math.log1p %exp3A_495 : vector<400x8xf32>
    %add3A_497 = arith.addf %max3A_490, %log1p3A_496 : vector<400x8xf32>
    %jit3A_498 = arith.constant 0.000000e+00 : f32
    %broadcast_in_dim3A_499 = vector.broadcast %jit3A_498 : f32 to vector<400x8xf32>
    %select_n3A_500 = arith.select %and3A_487, %add3A_497, %broadcast_in_dim3A_499 : vector<400x8xi1>, vector<400x8xf32>
    %reduce_sum3A_501 = vector.shape_cast %select_n3A_500 : vector<400x8xf32> to vector<1x400x8xf32>
    %reduce_sum3A_502 = arith.constant dense<0.000000e+00> : vector<1xf32>
    %reduce_sum3A_503 = vector.multi_reduction <add>, %reduce_sum3A_501, %reduce_sum3A_502 [1, 2] : vector<1x400x8xf32> to vector<1xf32>
    %reduce_sum3A_504 = vector.shape_cast %reduce_sum3A_503 : vector<1xf32> to vector<1x1x1xf32>
    %reduce_sum3A_505 = vector.extract %reduce_sum3A_504[0, 0, 0] : f32 from vector<1x1x1xf32>
    %add3A_506 = arith.addf %add3A_378, %reduce_sum3A_505 : f32
    %slice3A_507 = vector.extract_strided_slice %get3A_4 {offsets = [1600, 0], sizes = [400, 128], strides = [1, 1]} : vector<4000x128xf32> to vector<400x128xf32>
    %slice3A_508 = vector.extract_strided_slice %get3A_1 {offsets = [32, 0], sizes = [8, 128], strides = [1, 1]} : vector<80x128xf32> to vector<8x128xf32>
    %dot_general3A_509 = arith.constant dense<0.000000e+00> : vector<400x8xf32>
    %dot_general3A_510 = tpu.matmul %slice3A_507, %slice3A_508, %dot_general3A_509 {dimension_numbers = #tpu.dot_dimension_numbers<[1], [1], [0], [0], [0, 0, 1, 0], [], []>, transpose_lhs_hint = false} : vector<400x128xf32>, vector<8x128xf32>, vector<400x8xf32> -> vector<400x8xf32>
    %iota3A_511 = tpu.iota {dimensions = array<i32: 0>} : vector<400x8xi32>
    %iota3A_512 = tpu.iota {dimensions = array<i32: 1>} : vector<400x8xi32>
    %jit3A_513 = arith.constant 50 : i32
    %div3A_514 = vector.broadcast %jit3A_513 : i32 to vector<400x8xi32>
    %div3A_515 = arith.divsi %iota3A_511, %div3A_514 : vector<400x8xi32>
    %sign3A_516 = arith.constant 0 : i32
    %sign3A_517 = vector.broadcast %sign3A_516 : i32 to vector<400x8xi32>
    %sign3A_518 = arith.cmpi sgt, %iota3A_511, %sign3A_517 : vector<400x8xi32>
    %sign3A_519 = arith.extui %sign3A_518 : vector<400x8xi1> to vector<400x8xi32>
    %sign3A_520 = arith.constant 0 : i32
    %sign3A_521 = vector.broadcast %sign3A_520 : i32 to vector<400x8xi32>
    %sign3A_522 = arith.cmpi slt, %iota3A_511, %sign3A_521 : vector<400x8xi32>
    %sign3A_523 = arith.extui %sign3A_522 : vector<400x8xi1> to vector<400x8xi32>
    %sign3A_524 = arith.subi %sign3A_519, %sign3A_523 : vector<400x8xi32>
    %sign3A_525 = arith.constant 0 : i32
    %sign3A_526 = arith.cmpi sgt, %jit3A_513, %sign3A_525 : i32
    %sign3A_527 = arith.extui %sign3A_526 : i1 to i32
    %sign3A_528 = arith.constant 0 : i32
    %sign3A_529 = arith.cmpi slt, %jit3A_513, %sign3A_528 : i32
    %sign3A_530 = arith.extui %sign3A_529 : i1 to i32
    %sign3A_531 = arith.subi %sign3A_527, %sign3A_530 : i32
    %ne3A_532 = vector.broadcast %sign3A_531 : i32 to vector<400x8xi32>
    %ne3A_533 = arith.cmpi ne, %sign3A_524, %ne3A_532 : vector<400x8xi32>
    %rem3A_534 = vector.broadcast %jit3A_513 : i32 to vector<400x8xi32>
    %rem3A_535 = arith.remsi %iota3A_511, %rem3A_534 : vector<400x8xi32>
    %ne3A_536 = arith.constant 0 : i32
    %ne3A_537 = vector.broadcast %ne3A_536 : i32 to vector<400x8xi32>
    %ne3A_538 = arith.cmpi ne, %rem3A_535, %ne3A_537 : vector<400x8xi32>
    %and3A_539 = arith.andi %ne3A_533, %ne3A_538 : vector<400x8xi1>
    %sub3A_540 = arith.constant 1 : i32
    %sub3A_541 = vector.broadcast %sub3A_540 : i32 to vector<400x8xi32>
    %sub3A_542 = arith.subi %div3A_515, %sub3A_541 : vector<400x8xi32>
    %select_n3A_543 = arith.select %and3A_539, %sub3A_542, %div3A_515 : vector<400x8xi1>, vector<400x8xi32>
    %add3A_544 = arith.constant 32 : i32
    %add3A_545 = vector.broadcast %add3A_544 : i32 to vector<400x8xi32>
    %add3A_546 = arith.addi %select_n3A_543, %add3A_545 : vector<400x8xi32>
    %jit3A_547 = arith.constant 50 : i32
    %eq3A_548 = arith.constant 0 : i32
    %eq3A_549 = arith.cmpi eq, %jit3A_547, %eq3A_548 : i32
    %jit3A_550 = arith.constant 1 : i32
    %select_n3A_551 = arith.select %eq3A_549, %jit3A_550, %jit3A_547 : i32
    %rem3A_552 = vector.broadcast %select_n3A_551 : i32 to vector<400x8xi32>
    %rem3A_553 = arith.remsi %iota3A_511, %rem3A_552 : vector<400x8xi32>
    %ne3A_554 = arith.constant 0 : i32
    %ne3A_555 = vector.broadcast %ne3A_554 : i32 to vector<400x8xi32>
    %ne3A_556 = arith.cmpi ne, %rem3A_553, %ne3A_555 : vector<400x8xi32>
    %lt3A_557 = arith.constant 0 : i32
    %lt3A_558 = vector.broadcast %lt3A_557 : i32 to vector<400x8xi32>
    %lt3A_559 = arith.cmpi slt, %rem3A_553, %lt3A_558 : vector<400x8xi32>
    %lt3A_560 = arith.constant 0 : i32
    %lt3A_561 = arith.cmpi slt, %select_n3A_551, %lt3A_560 : i32
    %ne3A_562 = vector.broadcast %lt3A_561 : i1 to vector<400x8xi1>
    %ne3A_563 = vector.broadcast %ne3A_562 : vector<400x8xi1> to vector<400x8xi1>
    %ne3A_564 = arith.xori %lt3A_559, %ne3A_563 : vector<400x8xi1>
    %and3A_565 = arith.andi %ne3A_564, %ne3A_556 : vector<400x8xi1>
    %add3A_566 = vector.broadcast %select_n3A_551 : i32 to vector<400x8xi32>
    %add3A_567 = arith.addi %rem3A_553, %add3A_566 : vector<400x8xi32>
    %select_n3A_568 = arith.select %and3A_565, %add3A_567, %rem3A_553 : vector<400x8xi1>, vector<400x8xi32>
    %jit3A_569 = arith.constant 5 : i32
    %div3A_570 = vector.broadcast %jit3A_569 : i32 to vector<400x8xi32>
    %div3A_571 = arith.divsi %select_n3A_568, %div3A_570 : vector<400x8xi32>
    %sign3A_572 = arith.constant 0 : i32
    %sign3A_573 = vector.broadcast %sign3A_572 : i32 to vector<400x8xi32>
    %sign3A_574 = arith.cmpi sgt, %select_n3A_568, %sign3A_573 : vector<400x8xi32>
    %sign3A_575 = arith.extui %sign3A_574 : vector<400x8xi1> to vector<400x8xi32>
    %sign3A_576 = arith.constant 0 : i32
    %sign3A_577 = vector.broadcast %sign3A_576 : i32 to vector<400x8xi32>
    %sign3A_578 = arith.cmpi slt, %select_n3A_568, %sign3A_577 : vector<400x8xi32>
    %sign3A_579 = arith.extui %sign3A_578 : vector<400x8xi1> to vector<400x8xi32>
    %sign3A_580 = arith.subi %sign3A_575, %sign3A_579 : vector<400x8xi32>
    %sign3A_581 = arith.constant 0 : i32
    %sign3A_582 = arith.cmpi sgt, %jit3A_569, %sign3A_581 : i32
    %sign3A_583 = arith.extui %sign3A_582 : i1 to i32
    %sign3A_584 = arith.constant 0 : i32
    %sign3A_585 = arith.cmpi slt, %jit3A_569, %sign3A_584 : i32
    %sign3A_586 = arith.extui %sign3A_585 : i1 to i32
    %sign3A_587 = arith.subi %sign3A_583, %sign3A_586 : i32
    %ne3A_588 = vector.broadcast %sign3A_587 : i32 to vector<400x8xi32>
    %ne3A_589 = arith.cmpi ne, %sign3A_580, %ne3A_588 : vector<400x8xi32>
    %rem3A_590 = vector.broadcast %jit3A_569 : i32 to vector<400x8xi32>
    %rem3A_591 = arith.remsi %select_n3A_568, %rem3A_590 : vector<400x8xi32>
    %ne3A_592 = arith.constant 0 : i32
    %ne3A_593 = vector.broadcast %ne3A_592 : i32 to vector<400x8xi32>
    %ne3A_594 = arith.cmpi ne, %rem3A_591, %ne3A_593 : vector<400x8xi32>
    %and3A_595 = arith.andi %ne3A_589, %ne3A_594 : vector<400x8xi1>
    %sub3A_596 = arith.constant 1 : i32
    %sub3A_597 = vector.broadcast %sub3A_596 : i32 to vector<400x8xi32>
    %sub3A_598 = arith.subi %div3A_571, %sub3A_597 : vector<400x8xi32>
    %select_n3A_599 = arith.select %and3A_595, %sub3A_598, %div3A_571 : vector<400x8xi1>, vector<400x8xi32>
    %add3A_600 = arith.constant 5 : i32
    %add3A_601 = vector.broadcast %add3A_600 : i32 to vector<400x8xi32>
    %add3A_602 = arith.addi %add3A_546, %add3A_601 : vector<400x8xi32>
    %min3A_603 = arith.constant 79 : i32
    %min3A_604 = vector.broadcast %min3A_603 : i32 to vector<400x8xi32>
    %min3A_605 = arith.minsi %add3A_602, %min3A_604 : vector<400x8xi32>
    %sub3A_606 = arith.constant 5 : i32
    %sub3A_607 = vector.broadcast %sub3A_606 : i32 to vector<400x8xi32>
    %sub3A_608 = arith.subi %add3A_546, %sub3A_607 : vector<400x8xi32>
    %max3A_609 = arith.constant 0 : i32
    %max3A_610 = vector.broadcast %max3A_609 : i32 to vector<400x8xi32>
    %max3A_611 = arith.maxsi %sub3A_608, %max3A_610 : vector<400x8xi32>
    %sub3A_612 = arith.subi %min3A_605, %max3A_611 : vector<400x8xi32>
    %eq3A_613 = arith.cmpi eq, %iota3A_512, %select_n3A_543 : vector<400x8xi32>
    %lt3A_614 = arith.cmpi slt, %select_n3A_599, %sub3A_612 : vector<400x8xi32>
    %and3A_615 = arith.andi %eq3A_613, %lt3A_614 : vector<400x8xi1>
    %max3A_616 = arith.constant 0.000000e+00 : f32
    %max3A_617 = vector.broadcast %max3A_616 : f32 to vector<400x8xf32>
    %max3A_618 = arith.maximumf %dot_general3A_510, %max3A_617 : vector<400x8xf32>
    %abs3A_619 = math.absf %dot_general3A_510 : vector<400x8xf32>
    %neg3A_620 = arith.constant 0.000000e+00 : f32
    %neg3A_621 = vector.broadcast %neg3A_620 : f32 to vector<400x8xf32>
    %neg3A_622 = arith.subf %neg3A_621, %abs3A_619 : vector<400x8xf32>
    %exp3A_623 = math.exp %neg3A_622 : vector<400x8xf32>
    %log1p3A_624 = math.log1p %exp3A_623 : vector<400x8xf32>
    %add3A_625 = arith.addf %max3A_618, %log1p3A_624 : vector<400x8xf32>
    %jit3A_626 = arith.constant 0.000000e+00 : f32
    %broadcast_in_dim3A_627 = vector.broadcast %jit3A_626 : f32 to vector<400x8xf32>
    %select_n3A_628 = arith.select %and3A_615, %add3A_625, %broadcast_in_dim3A_627 : vector<400x8xi1>, vector<400x8xf32>
    %reduce_sum3A_629 = vector.shape_cast %select_n3A_628 : vector<400x8xf32> to vector<1x400x8xf32>
    %reduce_sum3A_630 = arith.constant dense<0.000000e+00> : vector<1xf32>
    %reduce_sum3A_631 = vector.multi_reduction <add>, %reduce_sum3A_629, %reduce_sum3A_630 [1, 2] : vector<1x400x8xf32> to vector<1xf32>
    %reduce_sum3A_632 = vector.shape_cast %reduce_sum3A_631 : vector<1xf32> to vector<1x1x1xf32>
    %reduce_sum3A_633 = vector.extract %reduce_sum3A_632[0, 0, 0] : f32 from vector<1x1x1xf32>
    %add3A_634 = arith.addf %add3A_506, %reduce_sum3A_633 : f32
    %slice3A_635 = vector.extract_strided_slice %get3A_4 {offsets = [2000, 0], sizes = [400, 128], strides = [1, 1]} : vector<4000x128xf32> to vector<400x128xf32>
    %slice3A_636 = vector.extract_strided_slice %get3A_1 {offsets = [40, 0], sizes = [8, 128], strides = [1, 1]} : vector<80x128xf32> to vector<8x128xf32>
    %dot_general3A_637 = arith.constant dense<0.000000e+00> : vector<400x8xf32>
    %dot_general3A_638 = tpu.matmul %slice3A_635, %slice3A_636, %dot_general3A_637 {dimension_numbers = #tpu.dot_dimension_numbers<[1], [1], [0], [0], [0, 0, 1, 0], [], []>, transpose_lhs_hint = false} : vector<400x128xf32>, vector<8x128xf32>, vector<400x8xf32> -> vector<400x8xf32>
    %iota3A_639 = tpu.iota {dimensions = array<i32: 0>} : vector<400x8xi32>
    %iota3A_640 = tpu.iota {dimensions = array<i32: 1>} : vector<400x8xi32>
    %jit3A_641 = arith.constant 50 : i32
    %div3A_642 = vector.broadcast %jit3A_641 : i32 to vector<400x8xi32>
    %div3A_643 = arith.divsi %iota3A_639, %div3A_642 : vector<400x8xi32>
    %sign3A_644 = arith.constant 0 : i32
    %sign3A_645 = vector.broadcast %sign3A_644 : i32 to vector<400x8xi32>
    %sign3A_646 = arith.cmpi sgt, %iota3A_639, %sign3A_645 : vector<400x8xi32>
    %sign3A_647 = arith.extui %sign3A_646 : vector<400x8xi1> to vector<400x8xi32>
    %sign3A_648 = arith.constant 0 : i32
    %sign3A_649 = vector.broadcast %sign3A_648 : i32 to vector<400x8xi32>
    %sign3A_650 = arith.cmpi slt, %iota3A_639, %sign3A_649 : vector<400x8xi32>
    %sign3A_651 = arith.extui %sign3A_650 : vector<400x8xi1> to vector<400x8xi32>
    %sign3A_652 = arith.subi %sign3A_647, %sign3A_651 : vector<400x8xi32>
    %sign3A_653 = arith.constant 0 : i32
    %sign3A_654 = arith.cmpi sgt, %jit3A_641, %sign3A_653 : i32
    %sign3A_655 = arith.extui %sign3A_654 : i1 to i32
    %sign3A_656 = arith.constant 0 : i32
    %sign3A_657 = arith.cmpi slt, %jit3A_641, %sign3A_656 : i32
    %sign3A_658 = arith.extui %sign3A_657 : i1 to i32
    %sign3A_659 = arith.subi %sign3A_655, %sign3A_658 : i32
    %ne3A_660 = vector.broadcast %sign3A_659 : i32 to vector<400x8xi32>
    %ne3A_661 = arith.cmpi ne, %sign3A_652, %ne3A_660 : vector<400x8xi32>
    %rem3A_662 = vector.broadcast %jit3A_641 : i32 to vector<400x8xi32>
    %rem3A_663 = arith.remsi %iota3A_639, %rem3A_662 : vector<400x8xi32>
    %ne3A_664 = arith.constant 0 : i32
    %ne3A_665 = vector.broadcast %ne3A_664 : i32 to vector<400x8xi32>
    %ne3A_666 = arith.cmpi ne, %rem3A_663, %ne3A_665 : vector<400x8xi32>
    %and3A_667 = arith.andi %ne3A_661, %ne3A_666 : vector<400x8xi1>
    %sub3A_668 = arith.constant 1 : i32
    %sub3A_669 = vector.broadcast %sub3A_668 : i32 to vector<400x8xi32>
    %sub3A_670 = arith.subi %div3A_643, %sub3A_669 : vector<400x8xi32>
    %select_n3A_671 = arith.select %and3A_667, %sub3A_670, %div3A_643 : vector<400x8xi1>, vector<400x8xi32>
    %add3A_672 = arith.constant 40 : i32
    %add3A_673 = vector.broadcast %add3A_672 : i32 to vector<400x8xi32>
    %add3A_674 = arith.addi %select_n3A_671, %add3A_673 : vector<400x8xi32>
    %jit3A_675 = arith.constant 50 : i32
    %eq3A_676 = arith.constant 0 : i32
    %eq3A_677 = arith.cmpi eq, %jit3A_675, %eq3A_676 : i32
    %jit3A_678 = arith.constant 1 : i32
    %select_n3A_679 = arith.select %eq3A_677, %jit3A_678, %jit3A_675 : i32
    %rem3A_680 = vector.broadcast %select_n3A_679 : i32 to vector<400x8xi32>
    %rem3A_681 = arith.remsi %iota3A_639, %rem3A_680 : vector<400x8xi32>
    %ne3A_682 = arith.constant 0 : i32
    %ne3A_683 = vector.broadcast %ne3A_682 : i32 to vector<400x8xi32>
    %ne3A_684 = arith.cmpi ne, %rem3A_681, %ne3A_683 : vector<400x8xi32>
    %lt3A_685 = arith.constant 0 : i32
    %lt3A_686 = vector.broadcast %lt3A_685 : i32 to vector<400x8xi32>
    %lt3A_687 = arith.cmpi slt, %rem3A_681, %lt3A_686 : vector<400x8xi32>
    %lt3A_688 = arith.constant 0 : i32
    %lt3A_689 = arith.cmpi slt, %select_n3A_679, %lt3A_688 : i32
    %ne3A_690 = vector.broadcast %lt3A_689 : i1 to vector<400x8xi1>
    %ne3A_691 = vector.broadcast %ne3A_690 : vector<400x8xi1> to vector<400x8xi1>
    %ne3A_692 = arith.xori %lt3A_687, %ne3A_691 : vector<400x8xi1>
    %and3A_693 = arith.andi %ne3A_692, %ne3A_684 : vector<400x8xi1>
    %add3A_694 = vector.broadcast %select_n3A_679 : i32 to vector<400x8xi32>
    %add3A_695 = arith.addi %rem3A_681, %add3A_694 : vector<400x8xi32>
    %select_n3A_696 = arith.select %and3A_693, %add3A_695, %rem3A_681 : vector<400x8xi1>, vector<400x8xi32>
    %jit3A_697 = arith.constant 5 : i32
    %div3A_698 = vector.broadcast %jit3A_697 : i32 to vector<400x8xi32>
    %div3A_699 = arith.divsi %select_n3A_696, %div3A_698 : vector<400x8xi32>
    %sign3A_700 = arith.constant 0 : i32
    %sign3A_701 = vector.broadcast %sign3A_700 : i32 to vector<400x8xi32>
    %sign3A_702 = arith.cmpi sgt, %select_n3A_696, %sign3A_701 : vector<400x8xi32>
    %sign3A_703 = arith.extui %sign3A_702 : vector<400x8xi1> to vector<400x8xi32>
    %sign3A_704 = arith.constant 0 : i32
    %sign3A_705 = vector.broadcast %sign3A_704 : i32 to vector<400x8xi32>
    %sign3A_706 = arith.cmpi slt, %select_n3A_696, %sign3A_705 : vector<400x8xi32>
    %sign3A_707 = arith.extui %sign3A_706 : vector<400x8xi1> to vector<400x8xi32>
    %sign3A_708 = arith.subi %sign3A_703, %sign3A_707 : vector<400x8xi32>
    %sign3A_709 = arith.constant 0 : i32
    %sign3A_710 = arith.cmpi sgt, %jit3A_697, %sign3A_709 : i32
    %sign3A_711 = arith.extui %sign3A_710 : i1 to i32
    %sign3A_712 = arith.constant 0 : i32
    %sign3A_713 = arith.cmpi slt, %jit3A_697, %sign3A_712 : i32
    %sign3A_714 = arith.extui %sign3A_713 : i1 to i32
    %sign3A_715 = arith.subi %sign3A_711, %sign3A_714 : i32
    %ne3A_716 = vector.broadcast %sign3A_715 : i32 to vector<400x8xi32>
    %ne3A_717 = arith.cmpi ne, %sign3A_708, %ne3A_716 : vector<400x8xi32>
    %rem3A_718 = vector.broadcast %jit3A_697 : i32 to vector<400x8xi32>
    %rem3A_719 = arith.remsi %select_n3A_696, %rem3A_718 : vector<400x8xi32>
    %ne3A_720 = arith.constant 0 : i32
    %ne3A_721 = vector.broadcast %ne3A_720 : i32 to vector<400x8xi32>
    %ne3A_722 = arith.cmpi ne, %rem3A_719, %ne3A_721 : vector<400x8xi32>
    %and3A_723 = arith.andi %ne3A_717, %ne3A_722 : vector<400x8xi1>
    %sub3A_724 = arith.constant 1 : i32
    %sub3A_725 = vector.broadcast %sub3A_724 : i32 to vector<400x8xi32>
    %sub3A_726 = arith.subi %div3A_699, %sub3A_725 : vector<400x8xi32>
    %select_n3A_727 = arith.select %and3A_723, %sub3A_726, %div3A_699 : vector<400x8xi1>, vector<400x8xi32>
    %add3A_728 = arith.constant 5 : i32
    %add3A_729 = vector.broadcast %add3A_728 : i32 to vector<400x8xi32>
    %add3A_730 = arith.addi %add3A_674, %add3A_729 : vector<400x8xi32>
    %min3A_731 = arith.constant 79 : i32
    %min3A_732 = vector.broadcast %min3A_731 : i32 to vector<400x8xi32>
    %min3A_733 = arith.minsi %add3A_730, %min3A_732 : vector<400x8xi32>
    %sub3A_734 = arith.constant 5 : i32
    %sub3A_735 = vector.broadcast %sub3A_734 : i32 to vector<400x8xi32>
    %sub3A_736 = arith.subi %add3A_674, %sub3A_735 : vector<400x8xi32>
    %max3A_737 = arith.constant 0 : i32
    %max3A_738 = vector.broadcast %max3A_737 : i32 to vector<400x8xi32>
    %max3A_739 = arith.maxsi %sub3A_736, %max3A_738 : vector<400x8xi32>
    %sub3A_740 = arith.subi %min3A_733, %max3A_739 : vector<400x8xi32>
    %eq3A_741 = arith.cmpi eq, %iota3A_640, %select_n3A_671 : vector<400x8xi32>
    %lt3A_742 = arith.cmpi slt, %select_n3A_727, %sub3A_740 : vector<400x8xi32>
    %and3A_743 = arith.andi %eq3A_741, %lt3A_742 : vector<400x8xi1>
    %max3A_744 = arith.constant 0.000000e+00 : f32
    %max3A_745 = vector.broadcast %max3A_744 : f32 to vector<400x8xf32>
    %max3A_746 = arith.maximumf %dot_general3A_638, %max3A_745 : vector<400x8xf32>
    %abs3A_747 = math.absf %dot_general3A_638 : vector<400x8xf32>
    %neg3A_748 = arith.constant 0.000000e+00 : f32
    %neg3A_749 = vector.broadcast %neg3A_748 : f32 to vector<400x8xf32>
    %neg3A_750 = arith.subf %neg3A_749, %abs3A_747 : vector<400x8xf32>
    %exp3A_751 = math.exp %neg3A_750 : vector<400x8xf32>
    %log1p3A_752 = math.log1p %exp3A_751 : vector<400x8xf32>
    %add3A_753 = arith.addf %max3A_746, %log1p3A_752 : vector<400x8xf32>
    %jit3A_754 = arith.constant 0.000000e+00 : f32
    %broadcast_in_dim3A_755 = vector.broadcast %jit3A_754 : f32 to vector<400x8xf32>
    %select_n3A_756 = arith.select %and3A_743, %add3A_753, %broadcast_in_dim3A_755 : vector<400x8xi1>, vector<400x8xf32>
    %reduce_sum3A_757 = vector.shape_cast %select_n3A_756 : vector<400x8xf32> to vector<1x400x8xf32>
    %reduce_sum3A_758 = arith.constant dense<0.000000e+00> : vector<1xf32>
    %reduce_sum3A_759 = vector.multi_reduction <add>, %reduce_sum3A_757, %reduce_sum3A_758 [1, 2] : vector<1x400x8xf32> to vector<1xf32>
    %reduce_sum3A_760 = vector.shape_cast %reduce_sum3A_759 : vector<1xf32> to vector<1x1x1xf32>
    %reduce_sum3A_761 = vector.extract %reduce_sum3A_760[0, 0, 0] : f32 from vector<1x1x1xf32>
    %add3A_762 = arith.addf %add3A_634, %reduce_sum3A_761 : f32
    %slice3A_763 = vector.extract_strided_slice %get3A_4 {offsets = [2400, 0], sizes = [400, 128], strides = [1, 1]} : vector<4000x128xf32> to vector<400x128xf32>
    %slice3A_764 = vector.extract_strided_slice %get3A_1 {offsets = [48, 0], sizes = [8, 128], strides = [1, 1]} : vector<80x128xf32> to vector<8x128xf32>
    %dot_general3A_765 = arith.constant dense<0.000000e+00> : vector<400x8xf32>
    %dot_general3A_766 = tpu.matmul %slice3A_763, %slice3A_764, %dot_general3A_765 {dimension_numbers = #tpu.dot_dimension_numbers<[1], [1], [0], [0], [0, 0, 1, 0], [], []>, transpose_lhs_hint = false} : vector<400x128xf32>, vector<8x128xf32>, vector<400x8xf32> -> vector<400x8xf32>
    %iota3A_767 = tpu.iota {dimensions = array<i32: 0>} : vector<400x8xi32>
    %iota3A_768 = tpu.iota {dimensions = array<i32: 1>} : vector<400x8xi32>
    %jit3A_769 = arith.constant 50 : i32
    %div3A_770 = vector.broadcast %jit3A_769 : i32 to vector<400x8xi32>
    %div3A_771 = arith.divsi %iota3A_767, %div3A_770 : vector<400x8xi32>
    %sign3A_772 = arith.constant 0 : i32
    %sign3A_773 = vector.broadcast %sign3A_772 : i32 to vector<400x8xi32>
    %sign3A_774 = arith.cmpi sgt, %iota3A_767, %sign3A_773 : vector<400x8xi32>
    %sign3A_775 = arith.extui %sign3A_774 : vector<400x8xi1> to vector<400x8xi32>
    %sign3A_776 = arith.constant 0 : i32
    %sign3A_777 = vector.broadcast %sign3A_776 : i32 to vector<400x8xi32>
    %sign3A_778 = arith.cmpi slt, %iota3A_767, %sign3A_777 : vector<400x8xi32>
    %sign3A_779 = arith.extui %sign3A_778 : vector<400x8xi1> to vector<400x8xi32>
    %sign3A_780 = arith.subi %sign3A_775, %sign3A_779 : vector<400x8xi32>
    %sign3A_781 = arith.constant 0 : i32
    %sign3A_782 = arith.cmpi sgt, %jit3A_769, %sign3A_781 : i32
    %sign3A_783 = arith.extui %sign3A_782 : i1 to i32
    %sign3A_784 = arith.constant 0 : i32
    %sign3A_785 = arith.cmpi slt, %jit3A_769, %sign3A_784 : i32
    %sign3A_786 = arith.extui %sign3A_785 : i1 to i32
    %sign3A_787 = arith.subi %sign3A_783, %sign3A_786 : i32
    %ne3A_788 = vector.broadcast %sign3A_787 : i32 to vector<400x8xi32>
    %ne3A_789 = arith.cmpi ne, %sign3A_780, %ne3A_788 : vector<400x8xi32>
    %rem3A_790 = vector.broadcast %jit3A_769 : i32 to vector<400x8xi32>
    %rem3A_791 = arith.remsi %iota3A_767, %rem3A_790 : vector<400x8xi32>
    %ne3A_792 = arith.constant 0 : i32
    %ne3A_793 = vector.broadcast %ne3A_792 : i32 to vector<400x8xi32>
    %ne3A_794 = arith.cmpi ne, %rem3A_791, %ne3A_793 : vector<400x8xi32>
    %and3A_795 = arith.andi %ne3A_789, %ne3A_794 : vector<400x8xi1>
    %sub3A_796 = arith.constant 1 : i32
    %sub3A_797 = vector.broadcast %sub3A_796 : i32 to vector<400x8xi32>
    %sub3A_798 = arith.subi %div3A_771, %sub3A_797 : vector<400x8xi32>
    %select_n3A_799 = arith.select %and3A_795, %sub3A_798, %div3A_771 : vector<400x8xi1>, vector<400x8xi32>
    %add3A_800 = arith.constant 48 : i32
    %add3A_801 = vector.broadcast %add3A_800 : i32 to vector<400x8xi32>
    %add3A_802 = arith.addi %select_n3A_799, %add3A_801 : vector<400x8xi32>
    %jit3A_803 = arith.constant 50 : i32
    %eq3A_804 = arith.constant 0 : i32
    %eq3A_805 = arith.cmpi eq, %jit3A_803, %eq3A_804 : i32
    %jit3A_806 = arith.constant 1 : i32
    %select_n3A_807 = arith.select %eq3A_805, %jit3A_806, %jit3A_803 : i32
    %rem3A_808 = vector.broadcast %select_n3A_807 : i32 to vector<400x8xi32>
    %rem3A_809 = arith.remsi %iota3A_767, %rem3A_808 : vector<400x8xi32>
    %ne3A_810 = arith.constant 0 : i32
    %ne3A_811 = vector.broadcast %ne3A_810 : i32 to vector<400x8xi32>
    %ne3A_812 = arith.cmpi ne, %rem3A_809, %ne3A_811 : vector<400x8xi32>
    %lt3A_813 = arith.constant 0 : i32
    %lt3A_814 = vector.broadcast %lt3A_813 : i32 to vector<400x8xi32>
    %lt3A_815 = arith.cmpi slt, %rem3A_809, %lt3A_814 : vector<400x8xi32>
    %lt3A_816 = arith.constant 0 : i32
    %lt3A_817 = arith.cmpi slt, %select_n3A_807, %lt3A_816 : i32
    %ne3A_818 = vector.broadcast %lt3A_817 : i1 to vector<400x8xi1>
    %ne3A_819 = vector.broadcast %ne3A_818 : vector<400x8xi1> to vector<400x8xi1>
    %ne3A_820 = arith.xori %lt3A_815, %ne3A_819 : vector<400x8xi1>
    %and3A_821 = arith.andi %ne3A_820, %ne3A_812 : vector<400x8xi1>
    %add3A_822 = vector.broadcast %select_n3A_807 : i32 to vector<400x8xi32>
    %add3A_823 = arith.addi %rem3A_809, %add3A_822 : vector<400x8xi32>
    %select_n3A_824 = arith.select %and3A_821, %add3A_823, %rem3A_809 : vector<400x8xi1>, vector<400x8xi32>
    %jit3A_825 = arith.constant 5 : i32
    %div3A_826 = vector.broadcast %jit3A_825 : i32 to vector<400x8xi32>
    %div3A_827 = arith.divsi %select_n3A_824, %div3A_826 : vector<400x8xi32>
    %sign3A_828 = arith.constant 0 : i32
    %sign3A_829 = vector.broadcast %sign3A_828 : i32 to vector<400x8xi32>
    %sign3A_830 = arith.cmpi sgt, %select_n3A_824, %sign3A_829 : vector<400x8xi32>
    %sign3A_831 = arith.extui %sign3A_830 : vector<400x8xi1> to vector<400x8xi32>
    %sign3A_832 = arith.constant 0 : i32
    %sign3A_833 = vector.broadcast %sign3A_832 : i32 to vector<400x8xi32>
    %sign3A_834 = arith.cmpi slt, %select_n3A_824, %sign3A_833 : vector<400x8xi32>
    %sign3A_835 = arith.extui %sign3A_834 : vector<400x8xi1> to vector<400x8xi32>
    %sign3A_836 = arith.subi %sign3A_831, %sign3A_835 : vector<400x8xi32>
    %sign3A_837 = arith.constant 0 : i32
    %sign3A_838 = arith.cmpi sgt, %jit3A_825, %sign3A_837 : i32
    %sign3A_839 = arith.extui %sign3A_838 : i1 to i32
    %sign3A_840 = arith.constant 0 : i32
    %sign3A_841 = arith.cmpi slt, %jit3A_825, %sign3A_840 : i32
    %sign3A_842 = arith.extui %sign3A_841 : i1 to i32
    %sign3A_843 = arith.subi %sign3A_839, %sign3A_842 : i32
    %ne3A_844 = vector.broadcast %sign3A_843 : i32 to vector<400x8xi32>
    %ne3A_845 = arith.cmpi ne, %sign3A_836, %ne3A_844 : vector<400x8xi32>
    %rem3A_846 = vector.broadcast %jit3A_825 : i32 to vector<400x8xi32>
    %rem3A_847 = arith.remsi %select_n3A_824, %rem3A_846 : vector<400x8xi32>
    %ne3A_848 = arith.constant 0 : i32
    %ne3A_849 = vector.broadcast %ne3A_848 : i32 to vector<400x8xi32>
    %ne3A_850 = arith.cmpi ne, %rem3A_847, %ne3A_849 : vector<400x8xi32>
    %and3A_851 = arith.andi %ne3A_845, %ne3A_850 : vector<400x8xi1>
    %sub3A_852 = arith.constant 1 : i32
    %sub3A_853 = vector.broadcast %sub3A_852 : i32 to vector<400x8xi32>
    %sub3A_854 = arith.subi %div3A_827, %sub3A_853 : vector<400x8xi32>
    %select_n3A_855 = arith.select %and3A_851, %sub3A_854, %div3A_827 : vector<400x8xi1>, vector<400x8xi32>
    %add3A_856 = arith.constant 5 : i32
    %add3A_857 = vector.broadcast %add3A_856 : i32 to vector<400x8xi32>
    %add3A_858 = arith.addi %add3A_802, %add3A_857 : vector<400x8xi32>
    %min3A_859 = arith.constant 79 : i32
    %min3A_860 = vector.broadcast %min3A_859 : i32 to vector<400x8xi32>
    %min3A_861 = arith.minsi %add3A_858, %min3A_860 : vector<400x8xi32>
    %sub3A_862 = arith.constant 5 : i32
    %sub3A_863 = vector.broadcast %sub3A_862 : i32 to vector<400x8xi32>
    %sub3A_864 = arith.subi %add3A_802, %sub3A_863 : vector<400x8xi32>
    %max3A_865 = arith.constant 0 : i32
    %max3A_866 = vector.broadcast %max3A_865 : i32 to vector<400x8xi32>
    %max3A_867 = arith.maxsi %sub3A_864, %max3A_866 : vector<400x8xi32>
    %sub3A_868 = arith.subi %min3A_861, %max3A_867 : vector<400x8xi32>
    %eq3A_869 = arith.cmpi eq, %iota3A_768, %select_n3A_799 : vector<400x8xi32>
    %lt3A_870 = arith.cmpi slt, %select_n3A_855, %sub3A_868 : vector<400x8xi32>
    %and3A_871 = arith.andi %eq3A_869, %lt3A_870 : vector<400x8xi1>
    %max3A_872 = arith.constant 0.000000e+00 : f32
    %max3A_873 = vector.broadcast %max3A_872 : f32 to vector<400x8xf32>
    %max3A_874 = arith.maximumf %dot_general3A_766, %max3A_873 : vector<400x8xf32>
    %abs3A_875 = math.absf %dot_general3A_766 : vector<400x8xf32>
    %neg3A_876 = arith.constant 0.000000e+00 : f32
    %neg3A_877 = vector.broadcast %neg3A_876 : f32 to vector<400x8xf32>
    %neg3A_878 = arith.subf %neg3A_877, %abs3A_875 : vector<400x8xf32>
    %exp3A_879 = math.exp %neg3A_878 : vector<400x8xf32>
    %log1p3A_880 = math.log1p %exp3A_879 : vector<400x8xf32>
    %add3A_881 = arith.addf %max3A_874, %log1p3A_880 : vector<400x8xf32>
    %jit3A_882 = arith.constant 0.000000e+00 : f32
    %broadcast_in_dim3A_883 = vector.broadcast %jit3A_882 : f32 to vector<400x8xf32>
    %select_n3A_884 = arith.select %and3A_871, %add3A_881, %broadcast_in_dim3A_883 : vector<400x8xi1>, vector<400x8xf32>
    %reduce_sum3A_885 = vector.shape_cast %select_n3A_884 : vector<400x8xf32> to vector<1x400x8xf32>
    %reduce_sum3A_886 = arith.constant dense<0.000000e+00> : vector<1xf32>
    %reduce_sum3A_887 = vector.multi_reduction <add>, %reduce_sum3A_885, %reduce_sum3A_886 [1, 2] : vector<1x400x8xf32> to vector<1xf32>
    %reduce_sum3A_888 = vector.shape_cast %reduce_sum3A_887 : vector<1xf32> to vector<1x1x1xf32>
    %reduce_sum3A_889 = vector.extract %reduce_sum3A_888[0, 0, 0] : f32 from vector<1x1x1xf32>
    %add3A_890 = arith.addf %add3A_762, %reduce_sum3A_889 : f32
    %slice3A_891 = vector.extract_strided_slice %get3A_4 {offsets = [2800, 0], sizes = [400, 128], strides = [1, 1]} : vector<4000x128xf32> to vector<400x128xf32>
    %slice3A_892 = vector.extract_strided_slice %get3A_1 {offsets = [56, 0], sizes = [8, 128], strides = [1, 1]} : vector<80x128xf32> to vector<8x128xf32>
    %dot_general3A_893 = arith.constant dense<0.000000e+00> : vector<400x8xf32>
    %dot_general3A_894 = tpu.matmul %slice3A_891, %slice3A_892, %dot_general3A_893 {dimension_numbers = #tpu.dot_dimension_numbers<[1], [1], [0], [0], [0, 0, 1, 0], [], []>, transpose_lhs_hint = false} : vector<400x128xf32>, vector<8x128xf32>, vector<400x8xf32> -> vector<400x8xf32>
    %iota3A_895 = tpu.iota {dimensions = array<i32: 0>} : vector<400x8xi32>
    %iota3A_896 = tpu.iota {dimensions = array<i32: 1>} : vector<400x8xi32>
    %jit3A_897 = arith.constant 50 : i32
    %div3A_898 = vector.broadcast %jit3A_897 : i32 to vector<400x8xi32>
    %div3A_899 = arith.divsi %iota3A_895, %div3A_898 : vector<400x8xi32>
    %sign3A_900 = arith.constant 0 : i32
    %sign3A_901 = vector.broadcast %sign3A_900 : i32 to vector<400x8xi32>
    %sign3A_902 = arith.cmpi sgt, %iota3A_895, %sign3A_901 : vector<400x8xi32>
    %sign3A_903 = arith.extui %sign3A_902 : vector<400x8xi1> to vector<400x8xi32>
    %sign3A_904 = arith.constant 0 : i32
    %sign3A_905 = vector.broadcast %sign3A_904 : i32 to vector<400x8xi32>
    %sign3A_906 = arith.cmpi slt, %iota3A_895, %sign3A_905 : vector<400x8xi32>
    %sign3A_907 = arith.extui %sign3A_906 : vector<400x8xi1> to vector<400x8xi32>
    %sign3A_908 = arith.subi %sign3A_903, %sign3A_907 : vector<400x8xi32>
    %sign3A_909 = arith.constant 0 : i32
    %sign3A_910 = arith.cmpi sgt, %jit3A_897, %sign3A_909 : i32
    %sign3A_911 = arith.extui %sign3A_910 : i1 to i32
    %sign3A_912 = arith.constant 0 : i32
    %sign3A_913 = arith.cmpi slt, %jit3A_897, %sign3A_912 : i32
    %sign3A_914 = arith.extui %sign3A_913 : i1 to i32
    %sign3A_915 = arith.subi %sign3A_911, %sign3A_914 : i32
    %ne3A_916 = vector.broadcast %sign3A_915 : i32 to vector<400x8xi32>
    %ne3A_917 = arith.cmpi ne, %sign3A_908, %ne3A_916 : vector<400x8xi32>
    %rem3A_918 = vector.broadcast %jit3A_897 : i32 to vector<400x8xi32>
    %rem3A_919 = arith.remsi %iota3A_895, %rem3A_918 : vector<400x8xi32>
    %ne3A_920 = arith.constant 0 : i32
    %ne3A_921 = vector.broadcast %ne3A_920 : i32 to vector<400x8xi32>
    %ne3A_922 = arith.cmpi ne, %rem3A_919, %ne3A_921 : vector<400x8xi32>
    %and3A_923 = arith.andi %ne3A_917, %ne3A_922 : vector<400x8xi1>
    %sub3A_924 = arith.constant 1 : i32
    %sub3A_925 = vector.broadcast %sub3A_924 : i32 to vector<400x8xi32>
    %sub3A_926 = arith.subi %div3A_899, %sub3A_925 : vector<400x8xi32>
    %select_n3A_927 = arith.select %and3A_923, %sub3A_926, %div3A_899 : vector<400x8xi1>, vector<400x8xi32>
    %add3A_928 = arith.constant 56 : i32
    %add3A_929 = vector.broadcast %add3A_928 : i32 to vector<400x8xi32>
    %add3A_930 = arith.addi %select_n3A_927, %add3A_929 : vector<400x8xi32>
    %jit3A_931 = arith.constant 50 : i32
    %eq3A_932 = arith.constant 0 : i32
    %eq3A_933 = arith.cmpi eq, %jit3A_931, %eq3A_932 : i32
    %jit3A_934 = arith.constant 1 : i32
    %select_n3A_935 = arith.select %eq3A_933, %jit3A_934, %jit3A_931 : i32
    %rem3A_936 = vector.broadcast %select_n3A_935 : i32 to vector<400x8xi32>
    %rem3A_937 = arith.remsi %iota3A_895, %rem3A_936 : vector<400x8xi32>
    %ne3A_938 = arith.constant 0 : i32
    %ne3A_939 = vector.broadcast %ne3A_938 : i32 to vector<400x8xi32>
    %ne3A_940 = arith.cmpi ne, %rem3A_937, %ne3A_939 : vector<400x8xi32>
    %lt3A_941 = arith.constant 0 : i32
    %lt3A_942 = vector.broadcast %lt3A_941 : i32 to vector<400x8xi32>
    %lt3A_943 = arith.cmpi slt, %rem3A_937, %lt3A_942 : vector<400x8xi32>
    %lt3A_944 = arith.constant 0 : i32
    %lt3A_945 = arith.cmpi slt, %select_n3A_935, %lt3A_944 : i32
    %ne3A_946 = vector.broadcast %lt3A_945 : i1 to vector<400x8xi1>
    %ne3A_947 = vector.broadcast %ne3A_946 : vector<400x8xi1> to vector<400x8xi1>
    %ne3A_948 = arith.xori %lt3A_943, %ne3A_947 : vector<400x8xi1>
    %and3A_949 = arith.andi %ne3A_948, %ne3A_940 : vector<400x8xi1>
    %add3A_950 = vector.broadcast %select_n3A_935 : i32 to vector<400x8xi32>
    %add3A_951 = arith.addi %rem3A_937, %add3A_950 : vector<400x8xi32>
    %select_n3A_952 = arith.select %and3A_949, %add3A_951, %rem3A_937 : vector<400x8xi1>, vector<400x8xi32>
    %jit3A_953 = arith.constant 5 : i32
    %div3A_954 = vector.broadcast %jit3A_953 : i32 to vector<400x8xi32>
    %div3A_955 = arith.divsi %select_n3A_952, %div3A_954 : vector<400x8xi32>
    %sign3A_956 = arith.constant 0 : i32
    %sign3A_957 = vector.broadcast %sign3A_956 : i32 to vector<400x8xi32>
    %sign3A_958 = arith.cmpi sgt, %select_n3A_952, %sign3A_957 : vector<400x8xi32>
    %sign3A_959 = arith.extui %sign3A_958 : vector<400x8xi1> to vector<400x8xi32>
    %sign3A_960 = arith.constant 0 : i32
    %sign3A_961 = vector.broadcast %sign3A_960 : i32 to vector<400x8xi32>
    %sign3A_962 = arith.cmpi slt, %select_n3A_952, %sign3A_961 : vector<400x8xi32>
    %sign3A_963 = arith.extui %sign3A_962 : vector<400x8xi1> to vector<400x8xi32>
    %sign3A_964 = arith.subi %sign3A_959, %sign3A_963 : vector<400x8xi32>
    %sign3A_965 = arith.constant 0 : i32
    %sign3A_966 = arith.cmpi sgt, %jit3A_953, %sign3A_965 : i32
    %sign3A_967 = arith.extui %sign3A_966 : i1 to i32
    %sign3A_968 = arith.constant 0 : i32
    %sign3A_969 = arith.cmpi slt, %jit3A_953, %sign3A_968 : i32
    %sign3A_970 = arith.extui %sign3A_969 : i1 to i32
    %sign3A_971 = arith.subi %sign3A_967, %sign3A_970 : i32
    %ne3A_972 = vector.broadcast %sign3A_971 : i32 to vector<400x8xi32>
    %ne3A_973 = arith.cmpi ne, %sign3A_964, %ne3A_972 : vector<400x8xi32>
    %rem3A_974 = vector.broadcast %jit3A_953 : i32 to vector<400x8xi32>
    %rem3A_975 = arith.remsi %select_n3A_952, %rem3A_974 : vector<400x8xi32>
    %ne3A_976 = arith.constant 0 : i32
    %ne3A_977 = vector.broadcast %ne3A_976 : i32 to vector<400x8xi32>
    %ne3A_978 = arith.cmpi ne, %rem3A_975, %ne3A_977 : vector<400x8xi32>
    %and3A_979 = arith.andi %ne3A_973, %ne3A_978 : vector<400x8xi1>
    %sub3A_980 = arith.constant 1 : i32
    %sub3A_981 = vector.broadcast %sub3A_980 : i32 to vector<400x8xi32>
    %sub3A_982 = arith.subi %div3A_955, %sub3A_981 : vector<400x8xi32>
    %select_n3A_983 = arith.select %and3A_979, %sub3A_982, %div3A_955 : vector<400x8xi1>, vector<400x8xi32>
    %add3A_984 = arith.constant 5 : i32
    %add3A_985 = vector.broadcast %add3A_984 : i32 to vector<400x8xi32>
    %add3A_986 = arith.addi %add3A_930, %add3A_985 : vector<400x8xi32>
    %min3A_987 = arith.constant 79 : i32
    %min3A_988 = vector.broadcast %min3A_987 : i32 to vector<400x8xi32>
    %min3A_989 = arith.minsi %add3A_986, %min3A_988 : vector<400x8xi32>
    %sub3A_990 = arith.constant 5 : i32
    %sub3A_991 = vector.broadcast %sub3A_990 : i32 to vector<400x8xi32>
    %sub3A_992 = arith.subi %add3A_930, %sub3A_991 : vector<400x8xi32>
    %max3A_993 = arith.constant 0 : i32
    %max3A_994 = vector.broadcast %max3A_993 : i32 to vector<400x8xi32>
    %max3A_995 = arith.maxsi %sub3A_992, %max3A_994 : vector<400x8xi32>
    %sub3A_996 = arith.subi %min3A_989, %max3A_995 : vector<400x8xi32>
    %eq3A_997 = arith.cmpi eq, %iota3A_896, %select_n3A_927 : vector<400x8xi32>
    %lt3A_998 = arith.cmpi slt, %select_n3A_983, %sub3A_996 : vector<400x8xi32>
    %and3A_999 = arith.andi %eq3A_997, %lt3A_998 : vector<400x8xi1>
    %max3A_1000 = arith.constant 0.000000e+00 : f32
    %max3A_1001 = vector.broadcast %max3A_1000 : f32 to vector<400x8xf32>
    %max3A_1002 = arith.maximumf %dot_general3A_894, %max3A_1001 : vector<400x8xf32>
    %abs3A_1003 = math.absf %dot_general3A_894 : vector<400x8xf32>
    %neg3A_1004 = arith.constant 0.000000e+00 : f32
    %neg3A_1005 = vector.broadcast %neg3A_1004 : f32 to vector<400x8xf32>
    %neg3A_1006 = arith.subf %neg3A_1005, %abs3A_1003 : vector<400x8xf32>
    %exp3A_1007 = math.exp %neg3A_1006 : vector<400x8xf32>
    %log1p3A_1008 = math.log1p %exp3A_1007 : vector<400x8xf32>
    %add3A_1009 = arith.addf %max3A_1002, %log1p3A_1008 : vector<400x8xf32>
    %jit3A_1010 = arith.constant 0.000000e+00 : f32
    %broadcast_in_dim3A_1011 = vector.broadcast %jit3A_1010 : f32 to vector<400x8xf32>
    %select_n3A_1012 = arith.select %and3A_999, %add3A_1009, %broadcast_in_dim3A_1011 : vector<400x8xi1>, vector<400x8xf32>
    %reduce_sum3A_1013 = vector.shape_cast %select_n3A_1012 : vector<400x8xf32> to vector<1x400x8xf32>
    %reduce_sum3A_1014 = arith.constant dense<0.000000e+00> : vector<1xf32>
    %reduce_sum3A_1015 = vector.multi_reduction <add>, %reduce_sum3A_1013, %reduce_sum3A_1014 [1, 2] : vector<1x400x8xf32> to vector<1xf32>
    %reduce_sum3A_1016 = vector.shape_cast %reduce_sum3A_1015 : vector<1xf32> to vector<1x1x1xf32>
    %reduce_sum3A_1017 = vector.extract %reduce_sum3A_1016[0, 0, 0] : f32 from vector<1x1x1xf32>
    %add3A_1018 = arith.addf %add3A_890, %reduce_sum3A_1017 : f32
    %slice3A_1019 = vector.extract_strided_slice %get3A_4 {offsets = [3200, 0], sizes = [400, 128], strides = [1, 1]} : vector<4000x128xf32> to vector<400x128xf32>
    %slice3A_1020 = vector.extract_strided_slice %get3A_1 {offsets = [64, 0], sizes = [8, 128], strides = [1, 1]} : vector<80x128xf32> to vector<8x128xf32>
    %dot_general3A_1021 = arith.constant dense<0.000000e+00> : vector<400x8xf32>
    %dot_general3A_1022 = tpu.matmul %slice3A_1019, %slice3A_1020, %dot_general3A_1021 {dimension_numbers = #tpu.dot_dimension_numbers<[1], [1], [0], [0], [0, 0, 1, 0], [], []>, transpose_lhs_hint = false} : vector<400x128xf32>, vector<8x128xf32>, vector<400x8xf32> -> vector<400x8xf32>
    %iota3A_1023 = tpu.iota {dimensions = array<i32: 0>} : vector<400x8xi32>
    %iota3A_1024 = tpu.iota {dimensions = array<i32: 1>} : vector<400x8xi32>
    %jit3A_1025 = arith.constant 50 : i32
    %div3A_1026 = vector.broadcast %jit3A_1025 : i32 to vector<400x8xi32>
    %div3A_1027 = arith.divsi %iota3A_1023, %div3A_1026 : vector<400x8xi32>
    %sign3A_1028 = arith.constant 0 : i32
    %sign3A_1029 = vector.broadcast %sign3A_1028 : i32 to vector<400x8xi32>
    %sign3A_1030 = arith.cmpi sgt, %iota3A_1023, %sign3A_1029 : vector<400x8xi32>
    %sign3A_1031 = arith.extui %sign3A_1030 : vector<400x8xi1> to vector<400x8xi32>
    %sign3A_1032 = arith.constant 0 : i32
    %sign3A_1033 = vector.broadcast %sign3A_1032 : i32 to vector<400x8xi32>
    %sign3A_1034 = arith.cmpi slt, %iota3A_1023, %sign3A_1033 : vector<400x8xi32>
    %sign3A_1035 = arith.extui %sign3A_1034 : vector<400x8xi1> to vector<400x8xi32>
    %sign3A_1036 = arith.subi %sign3A_1031, %sign3A_1035 : vector<400x8xi32>
    %sign3A_1037 = arith.constant 0 : i32
    %sign3A_1038 = arith.cmpi sgt, %jit3A_1025, %sign3A_1037 : i32
    %sign3A_1039 = arith.extui %sign3A_1038 : i1 to i32
    %sign3A_1040 = arith.constant 0 : i32
    %sign3A_1041 = arith.cmpi slt, %jit3A_1025, %sign3A_1040 : i32
    %sign3A_1042 = arith.extui %sign3A_1041 : i1 to i32
    %sign3A_1043 = arith.subi %sign3A_1039, %sign3A_1042 : i32
    %ne3A_1044 = vector.broadcast %sign3A_1043 : i32 to vector<400x8xi32>
    %ne3A_1045 = arith.cmpi ne, %sign3A_1036, %ne3A_1044 : vector<400x8xi32>
    %rem3A_1046 = vector.broadcast %jit3A_1025 : i32 to vector<400x8xi32>
    %rem3A_1047 = arith.remsi %iota3A_1023, %rem3A_1046 : vector<400x8xi32>
    %ne3A_1048 = arith.constant 0 : i32
    %ne3A_1049 = vector.broadcast %ne3A_1048 : i32 to vector<400x8xi32>
    %ne3A_1050 = arith.cmpi ne, %rem3A_1047, %ne3A_1049 : vector<400x8xi32>
    %and3A_1051 = arith.andi %ne3A_1045, %ne3A_1050 : vector<400x8xi1>
    %sub3A_1052 = arith.constant 1 : i32
    %sub3A_1053 = vector.broadcast %sub3A_1052 : i32 to vector<400x8xi32>
    %sub3A_1054 = arith.subi %div3A_1027, %sub3A_1053 : vector<400x8xi32>
    %select_n3A_1055 = arith.select %and3A_1051, %sub3A_1054, %div3A_1027 : vector<400x8xi1>, vector<400x8xi32>
    %add3A_1056 = arith.constant 64 : i32
    %add3A_1057 = vector.broadcast %add3A_1056 : i32 to vector<400x8xi32>
    %add3A_1058 = arith.addi %select_n3A_1055, %add3A_1057 : vector<400x8xi32>
    %jit3A_1059 = arith.constant 50 : i32
    %eq3A_1060 = arith.constant 0 : i32
    %eq3A_1061 = arith.cmpi eq, %jit3A_1059, %eq3A_1060 : i32
    %jit3A_1062 = arith.constant 1 : i32
    %select_n3A_1063 = arith.select %eq3A_1061, %jit3A_1062, %jit3A_1059 : i32
    %rem3A_1064 = vector.broadcast %select_n3A_1063 : i32 to vector<400x8xi32>
    %rem3A_1065 = arith.remsi %iota3A_1023, %rem3A_1064 : vector<400x8xi32>
    %ne3A_1066 = arith.constant 0 : i32
    %ne3A_1067 = vector.broadcast %ne3A_1066 : i32 to vector<400x8xi32>
    %ne3A_1068 = arith.cmpi ne, %rem3A_1065, %ne3A_1067 : vector<400x8xi32>
    %lt3A_1069 = arith.constant 0 : i32
    %lt3A_1070 = vector.broadcast %lt3A_1069 : i32 to vector<400x8xi32>
    %lt3A_1071 = arith.cmpi slt, %rem3A_1065, %lt3A_1070 : vector<400x8xi32>
    %lt3A_1072 = arith.constant 0 : i32
    %lt3A_1073 = arith.cmpi slt, %select_n3A_1063, %lt3A_1072 : i32
    %ne3A_1074 = vector.broadcast %lt3A_1073 : i1 to vector<400x8xi1>
    %ne3A_1075 = vector.broadcast %ne3A_1074 : vector<400x8xi1> to vector<400x8xi1>
    %ne3A_1076 = arith.xori %lt3A_1071, %ne3A_1075 : vector<400x8xi1>
    %and3A_1077 = arith.andi %ne3A_1076, %ne3A_1068 : vector<400x8xi1>
    %add3A_1078 = vector.broadcast %select_n3A_1063 : i32 to vector<400x8xi32>
    %add3A_1079 = arith.addi %rem3A_1065, %add3A_1078 : vector<400x8xi32>
    %select_n3A_1080 = arith.select %and3A_1077, %add3A_1079, %rem3A_1065 : vector<400x8xi1>, vector<400x8xi32>
    %jit3A_1081 = arith.constant 5 : i32
    %div3A_1082 = vector.broadcast %jit3A_1081 : i32 to vector<400x8xi32>
    %div3A_1083 = arith.divsi %select_n3A_1080, %div3A_1082 : vector<400x8xi32>
    %sign3A_1084 = arith.constant 0 : i32
    %sign3A_1085 = vector.broadcast %sign3A_1084 : i32 to vector<400x8xi32>
    %sign3A_1086 = arith.cmpi sgt, %select_n3A_1080, %sign3A_1085 : vector<400x8xi32>
    %sign3A_1087 = arith.extui %sign3A_1086 : vector<400x8xi1> to vector<400x8xi32>
    %sign3A_1088 = arith.constant 0 : i32
    %sign3A_1089 = vector.broadcast %sign3A_1088 : i32 to vector<400x8xi32>
    %sign3A_1090 = arith.cmpi slt, %select_n3A_1080, %sign3A_1089 : vector<400x8xi32>
    %sign3A_1091 = arith.extui %sign3A_1090 : vector<400x8xi1> to vector<400x8xi32>
    %sign3A_1092 = arith.subi %sign3A_1087, %sign3A_1091 : vector<400x8xi32>
    %sign3A_1093 = arith.constant 0 : i32
    %sign3A_1094 = arith.cmpi sgt, %jit3A_1081, %sign3A_1093 : i32
    %sign3A_1095 = arith.extui %sign3A_1094 : i1 to i32
    %sign3A_1096 = arith.constant 0 : i32
    %sign3A_1097 = arith.cmpi slt, %jit3A_1081, %sign3A_1096 : i32
    %sign3A_1098 = arith.extui %sign3A_1097 : i1 to i32
    %sign3A_1099 = arith.subi %sign3A_1095, %sign3A_1098 : i32
    %ne3A_1100 = vector.broadcast %sign3A_1099 : i32 to vector<400x8xi32>
    %ne3A_1101 = arith.cmpi ne, %sign3A_1092, %ne3A_1100 : vector<400x8xi32>
    %rem3A_1102 = vector.broadcast %jit3A_1081 : i32 to vector<400x8xi32>
    %rem3A_1103 = arith.remsi %select_n3A_1080, %rem3A_1102 : vector<400x8xi32>
    %ne3A_1104 = arith.constant 0 : i32
    %ne3A_1105 = vector.broadcast %ne3A_1104 : i32 to vector<400x8xi32>
    %ne3A_1106 = arith.cmpi ne, %rem3A_1103, %ne3A_1105 : vector<400x8xi32>
    %and3A_1107 = arith.andi %ne3A_1101, %ne3A_1106 : vector<400x8xi1>
    %sub3A_1108 = arith.constant 1 : i32
    %sub3A_1109 = vector.broadcast %sub3A_1108 : i32 to vector<400x8xi32>
    %sub3A_1110 = arith.subi %div3A_1083, %sub3A_1109 : vector<400x8xi32>
    %select_n3A_1111 = arith.select %and3A_1107, %sub3A_1110, %div3A_1083 : vector<400x8xi1>, vector<400x8xi32>
    %add3A_1112 = arith.constant 5 : i32
    %add3A_1113 = vector.broadcast %add3A_1112 : i32 to vector<400x8xi32>
    %add3A_1114 = arith.addi %add3A_1058, %add3A_1113 : vector<400x8xi32>
    %min3A_1115 = arith.constant 79 : i32
    %min3A_1116 = vector.broadcast %min3A_1115 : i32 to vector<400x8xi32>
    %min3A_1117 = arith.minsi %add3A_1114, %min3A_1116 : vector<400x8xi32>
    %sub3A_1118 = arith.constant 5 : i32
    %sub3A_1119 = vector.broadcast %sub3A_1118 : i32 to vector<400x8xi32>
    %sub3A_1120 = arith.subi %add3A_1058, %sub3A_1119 : vector<400x8xi32>
    %max3A_1121 = arith.constant 0 : i32
    %max3A_1122 = vector.broadcast %max3A_1121 : i32 to vector<400x8xi32>
    %max3A_1123 = arith.maxsi %sub3A_1120, %max3A_1122 : vector<400x8xi32>
    %sub3A_1124 = arith.subi %min3A_1117, %max3A_1123 : vector<400x8xi32>
    %eq3A_1125 = arith.cmpi eq, %iota3A_1024, %select_n3A_1055 : vector<400x8xi32>
    %lt3A_1126 = arith.cmpi slt, %select_n3A_1111, %sub3A_1124 : vector<400x8xi32>
    %and3A_1127 = arith.andi %eq3A_1125, %lt3A_1126 : vector<400x8xi1>
    %max3A_1128 = arith.constant 0.000000e+00 : f32
    %max3A_1129 = vector.broadcast %max3A_1128 : f32 to vector<400x8xf32>
    %max3A_1130 = arith.maximumf %dot_general3A_1022, %max3A_1129 : vector<400x8xf32>
    %abs3A_1131 = math.absf %dot_general3A_1022 : vector<400x8xf32>
    %neg3A_1132 = arith.constant 0.000000e+00 : f32
    %neg3A_1133 = vector.broadcast %neg3A_1132 : f32 to vector<400x8xf32>
    %neg3A_1134 = arith.subf %neg3A_1133, %abs3A_1131 : vector<400x8xf32>
    %exp3A_1135 = math.exp %neg3A_1134 : vector<400x8xf32>
    %log1p3A_1136 = math.log1p %exp3A_1135 : vector<400x8xf32>
    %add3A_1137 = arith.addf %max3A_1130, %log1p3A_1136 : vector<400x8xf32>
    %jit3A_1138 = arith.constant 0.000000e+00 : f32
    %broadcast_in_dim3A_1139 = vector.broadcast %jit3A_1138 : f32 to vector<400x8xf32>
    %select_n3A_1140 = arith.select %and3A_1127, %add3A_1137, %broadcast_in_dim3A_1139 : vector<400x8xi1>, vector<400x8xf32>
    %reduce_sum3A_1141 = vector.shape_cast %select_n3A_1140 : vector<400x8xf32> to vector<1x400x8xf32>
    %reduce_sum3A_1142 = arith.constant dense<0.000000e+00> : vector<1xf32>
    %reduce_sum3A_1143 = vector.multi_reduction <add>, %reduce_sum3A_1141, %reduce_sum3A_1142 [1, 2] : vector<1x400x8xf32> to vector<1xf32>
    %reduce_sum3A_1144 = vector.shape_cast %reduce_sum3A_1143 : vector<1xf32> to vector<1x1x1xf32>
    %reduce_sum3A_1145 = vector.extract %reduce_sum3A_1144[0, 0, 0] : f32 from vector<1x1x1xf32>
    %add3A_1146 = arith.addf %add3A_1018, %reduce_sum3A_1145 : f32
    %slice3A_1147 = vector.extract_strided_slice %get3A_4 {offsets = [3600, 0], sizes = [400, 128], strides = [1, 1]} : vector<4000x128xf32> to vector<400x128xf32>
    %slice3A_1148 = vector.extract_strided_slice %get3A_1 {offsets = [72, 0], sizes = [8, 128], strides = [1, 1]} : vector<80x128xf32> to vector<8x128xf32>
    %dot_general3A_1149 = arith.constant dense<0.000000e+00> : vector<400x8xf32>
    %dot_general3A_1150 = tpu.matmul %slice3A_1147, %slice3A_1148, %dot_general3A_1149 {dimension_numbers = #tpu.dot_dimension_numbers<[1], [1], [0], [0], [0, 0, 1, 0], [], []>, transpose_lhs_hint = false} : vector<400x128xf32>, vector<8x128xf32>, vector<400x8xf32> -> vector<400x8xf32>
    %iota3A_1151 = tpu.iota {dimensions = array<i32: 0>} : vector<400x8xi32>
    %iota3A_1152 = tpu.iota {dimensions = array<i32: 1>} : vector<400x8xi32>
    %jit3A_1153 = arith.constant 50 : i32
    %div3A_1154 = vector.broadcast %jit3A_1153 : i32 to vector<400x8xi32>
    %div3A_1155 = arith.divsi %iota3A_1151, %div3A_1154 : vector<400x8xi32>
    %sign3A_1156 = arith.constant 0 : i32
    %sign3A_1157 = vector.broadcast %sign3A_1156 : i32 to vector<400x8xi32>
    %sign3A_1158 = arith.cmpi sgt, %iota3A_1151, %sign3A_1157 : vector<400x8xi32>
    %sign3A_1159 = arith.extui %sign3A_1158 : vector<400x8xi1> to vector<400x8xi32>
    %sign3A_1160 = arith.constant 0 : i32
    %sign3A_1161 = vector.broadcast %sign3A_1160 : i32 to vector<400x8xi32>
    %sign3A_1162 = arith.cmpi slt, %iota3A_1151, %sign3A_1161 : vector<400x8xi32>
    %sign3A_1163 = arith.extui %sign3A_1162 : vector<400x8xi1> to vector<400x8xi32>
    %sign3A_1164 = arith.subi %sign3A_1159, %sign3A_1163 : vector<400x8xi32>
    %sign3A_1165 = arith.constant 0 : i32
    %sign3A_1166 = arith.cmpi sgt, %jit3A_1153, %sign3A_1165 : i32
    %sign3A_1167 = arith.extui %sign3A_1166 : i1 to i32
    %sign3A_1168 = arith.constant 0 : i32
    %sign3A_1169 = arith.cmpi slt, %jit3A_1153, %sign3A_1168 : i32
    %sign3A_1170 = arith.extui %sign3A_1169 : i1 to i32
    %sign3A_1171 = arith.subi %sign3A_1167, %sign3A_1170 : i32
    %ne3A_1172 = vector.broadcast %sign3A_1171 : i32 to vector<400x8xi32>
    %ne3A_1173 = arith.cmpi ne, %sign3A_1164, %ne3A_1172 : vector<400x8xi32>
    %rem3A_1174 = vector.broadcast %jit3A_1153 : i32 to vector<400x8xi32>
    %rem3A_1175 = arith.remsi %iota3A_1151, %rem3A_1174 : vector<400x8xi32>
    %ne3A_1176 = arith.constant 0 : i32
    %ne3A_1177 = vector.broadcast %ne3A_1176 : i32 to vector<400x8xi32>
    %ne3A_1178 = arith.cmpi ne, %rem3A_1175, %ne3A_1177 : vector<400x8xi32>
    %and3A_1179 = arith.andi %ne3A_1173, %ne3A_1178 : vector<400x8xi1>
    %sub3A_1180 = arith.constant 1 : i32
    %sub3A_1181 = vector.broadcast %sub3A_1180 : i32 to vector<400x8xi32>
    %sub3A_1182 = arith.subi %div3A_1155, %sub3A_1181 : vector<400x8xi32>
    %select_n3A_1183 = arith.select %and3A_1179, %sub3A_1182, %div3A_1155 : vector<400x8xi1>, vector<400x8xi32>
    %add3A_1184 = arith.constant 72 : i32
    %add3A_1185 = vector.broadcast %add3A_1184 : i32 to vector<400x8xi32>
    %add3A_1186 = arith.addi %select_n3A_1183, %add3A_1185 : vector<400x8xi32>
    %jit3A_1187 = arith.constant 50 : i32
    %eq3A_1188 = arith.constant 0 : i32
    %eq3A_1189 = arith.cmpi eq, %jit3A_1187, %eq3A_1188 : i32
    %jit3A_1190 = arith.constant 1 : i32
    %select_n3A_1191 = arith.select %eq3A_1189, %jit3A_1190, %jit3A_1187 : i32
    %rem3A_1192 = vector.broadcast %select_n3A_1191 : i32 to vector<400x8xi32>
    %rem3A_1193 = arith.remsi %iota3A_1151, %rem3A_1192 : vector<400x8xi32>
    %ne3A_1194 = arith.constant 0 : i32
    %ne3A_1195 = vector.broadcast %ne3A_1194 : i32 to vector<400x8xi32>
    %ne3A_1196 = arith.cmpi ne, %rem3A_1193, %ne3A_1195 : vector<400x8xi32>
    %lt3A_1197 = arith.constant 0 : i32
    %lt3A_1198 = vector.broadcast %lt3A_1197 : i32 to vector<400x8xi32>
    %lt3A_1199 = arith.cmpi slt, %rem3A_1193, %lt3A_1198 : vector<400x8xi32>
    %lt3A_1200 = arith.constant 0 : i32
    %lt3A_1201 = arith.cmpi slt, %select_n3A_1191, %lt3A_1200 : i32
    %ne3A_1202 = vector.broadcast %lt3A_1201 : i1 to vector<400x8xi1>
    %ne3A_1203 = vector.broadcast %ne3A_1202 : vector<400x8xi1> to vector<400x8xi1>
    %ne3A_1204 = arith.xori %lt3A_1199, %ne3A_1203 : vector<400x8xi1>
    %and3A_1205 = arith.andi %ne3A_1204, %ne3A_1196 : vector<400x8xi1>
    %add3A_1206 = vector.broadcast %select_n3A_1191 : i32 to vector<400x8xi32>
    %add3A_1207 = arith.addi %rem3A_1193, %add3A_1206 : vector<400x8xi32>
    %select_n3A_1208 = arith.select %and3A_1205, %add3A_1207, %rem3A_1193 : vector<400x8xi1>, vector<400x8xi32>
    %jit3A_1209 = arith.constant 5 : i32
    %div3A_1210 = vector.broadcast %jit3A_1209 : i32 to vector<400x8xi32>
    %div3A_1211 = arith.divsi %select_n3A_1208, %div3A_1210 : vector<400x8xi32>
    %sign3A_1212 = arith.constant 0 : i32
    %sign3A_1213 = vector.broadcast %sign3A_1212 : i32 to vector<400x8xi32>
    %sign3A_1214 = arith.cmpi sgt, %select_n3A_1208, %sign3A_1213 : vector<400x8xi32>
    %sign3A_1215 = arith.extui %sign3A_1214 : vector<400x8xi1> to vector<400x8xi32>
    %sign3A_1216 = arith.constant 0 : i32
    %sign3A_1217 = vector.broadcast %sign3A_1216 : i32 to vector<400x8xi32>
    %sign3A_1218 = arith.cmpi slt, %select_n3A_1208, %sign3A_1217 : vector<400x8xi32>
    %sign3A_1219 = arith.extui %sign3A_1218 : vector<400x8xi1> to vector<400x8xi32>
    %sign3A_1220 = arith.subi %sign3A_1215, %sign3A_1219 : vector<400x8xi32>
    %sign3A_1221 = arith.constant 0 : i32
    %sign3A_1222 = arith.cmpi sgt, %jit3A_1209, %sign3A_1221 : i32
    %sign3A_1223 = arith.extui %sign3A_1222 : i1 to i32
    %sign3A_1224 = arith.constant 0 : i32
    %sign3A_1225 = arith.cmpi slt, %jit3A_1209, %sign3A_1224 : i32
    %sign3A_1226 = arith.extui %sign3A_1225 : i1 to i32
    %sign3A_1227 = arith.subi %sign3A_1223, %sign3A_1226 : i32
    %ne3A_1228 = vector.broadcast %sign3A_1227 : i32 to vector<400x8xi32>
    %ne3A_1229 = arith.cmpi ne, %sign3A_1220, %ne3A_1228 : vector<400x8xi32>
    %rem3A_1230 = vector.broadcast %jit3A_1209 : i32 to vector<400x8xi32>
    %rem3A_1231 = arith.remsi %select_n3A_1208, %rem3A_1230 : vector<400x8xi32>
    %ne3A_1232 = arith.constant 0 : i32
    %ne3A_1233 = vector.broadcast %ne3A_1232 : i32 to vector<400x8xi32>
    %ne3A_1234 = arith.cmpi ne, %rem3A_1231, %ne3A_1233 : vector<400x8xi32>
    %and3A_1235 = arith.andi %ne3A_1229, %ne3A_1234 : vector<400x8xi1>
    %sub3A_1236 = arith.constant 1 : i32
    %sub3A_1237 = vector.broadcast %sub3A_1236 : i32 to vector<400x8xi32>
    %sub3A_1238 = arith.subi %div3A_1211, %sub3A_1237 : vector<400x8xi32>
    %select_n3A_1239 = arith.select %and3A_1235, %sub3A_1238, %div3A_1211 : vector<400x8xi1>, vector<400x8xi32>
    %add3A_1240 = arith.constant 5 : i32
    %add3A_1241 = vector.broadcast %add3A_1240 : i32 to vector<400x8xi32>
    %add3A_1242 = arith.addi %add3A_1186, %add3A_1241 : vector<400x8xi32>
    %min3A_1243 = arith.constant 79 : i32
    %min3A_1244 = vector.broadcast %min3A_1243 : i32 to vector<400x8xi32>
    %min3A_1245 = arith.minsi %add3A_1242, %min3A_1244 : vector<400x8xi32>
    %sub3A_1246 = arith.constant 5 : i32
    %sub3A_1247 = vector.broadcast %sub3A_1246 : i32 to vector<400x8xi32>
    %sub3A_1248 = arith.subi %add3A_1186, %sub3A_1247 : vector<400x8xi32>
    %max3A_1249 = arith.constant 0 : i32
    %max3A_1250 = vector.broadcast %max3A_1249 : i32 to vector<400x8xi32>
    %max3A_1251 = arith.maxsi %sub3A_1248, %max3A_1250 : vector<400x8xi32>
    %sub3A_1252 = arith.subi %min3A_1245, %max3A_1251 : vector<400x8xi32>
    %eq3A_1253 = arith.cmpi eq, %iota3A_1152, %select_n3A_1183 : vector<400x8xi32>
    %lt3A_1254 = arith.cmpi slt, %select_n3A_1239, %sub3A_1252 : vector<400x8xi32>
    %and3A_1255 = arith.andi %eq3A_1253, %lt3A_1254 : vector<400x8xi1>
    %max3A_1256 = arith.constant 0.000000e+00 : f32
    %max3A_1257 = vector.broadcast %max3A_1256 : f32 to vector<400x8xf32>
    %max3A_1258 = arith.maximumf %dot_general3A_1150, %max3A_1257 : vector<400x8xf32>
    %abs3A_1259 = math.absf %dot_general3A_1150 : vector<400x8xf32>
    %neg3A_1260 = arith.constant 0.000000e+00 : f32
    %neg3A_1261 = vector.broadcast %neg3A_1260 : f32 to vector<400x8xf32>
    %neg3A_1262 = arith.subf %neg3A_1261, %abs3A_1259 : vector<400x8xf32>
    %exp3A_1263 = math.exp %neg3A_1262 : vector<400x8xf32>
    %log1p3A_1264 = math.log1p %exp3A_1263 : vector<400x8xf32>
    %add3A_1265 = arith.addf %max3A_1258, %log1p3A_1264 : vector<400x8xf32>
    %jit3A_1266 = arith.constant 0.000000e+00 : f32
    %broadcast_in_dim3A_1267 = vector.broadcast %jit3A_1266 : f32 to vector<400x8xf32>
    %select_n3A_1268 = arith.select %and3A_1255, %add3A_1265, %broadcast_in_dim3A_1267 : vector<400x8xi1>, vector<400x8xf32>
    %reduce_sum3A_1269 = vector.shape_cast %select_n3A_1268 : vector<400x8xf32> to vector<1x400x8xf32>
    %reduce_sum3A_1270 = arith.constant dense<0.000000e+00> : vector<1xf32>
    %reduce_sum3A_1271 = vector.multi_reduction <add>, %reduce_sum3A_1269, %reduce_sum3A_1270 [1, 2] : vector<1x400x8xf32> to vector<1xf32>
    %reduce_sum3A_1272 = vector.shape_cast %reduce_sum3A_1271 : vector<1xf32> to vector<1x1x1xf32>
    %reduce_sum3A_1273 = vector.extract %reduce_sum3A_1272[0, 0, 0] : f32 from vector<1x1x1xf32>
    %add3A_1274 = arith.addf %add3A_1146, %reduce_sum3A_1273 : f32
    %neg3A_1275 = arith.constant 0.000000e+00 : f32
    %neg3A_1276 = vector.broadcast %neg3A_1275 : f32 to vector<80x80xf32>
    %neg3A_1277 = arith.subf %neg3A_1276, %dot_general3A_5 : vector<80x80xf32>
    %max3A_1278 = arith.constant 0.000000e+00 : f32
    %max3A_1279 = vector.broadcast %max3A_1278 : f32 to vector<80x80xf32>
    %max3A_1280 = arith.maximumf %neg3A_1277, %max3A_1279 : vector<80x80xf32>
    %abs3A_1281 = math.absf %neg3A_1277 : vector<80x80xf32>
    %neg3A_1282 = arith.constant 0.000000e+00 : f32
    %neg3A_1283 = vector.broadcast %neg3A_1282 : f32 to vector<80x80xf32>
    %neg3A_1284 = arith.subf %neg3A_1283, %abs3A_1281 : vector<80x80xf32>
    %exp3A_1285 = math.exp %neg3A_1284 : vector<80x80xf32>
    %log1p3A_1286 = math.log1p %exp3A_1285 : vector<80x80xf32>
    %add3A_1287 = arith.addf %max3A_1280, %log1p3A_1286 : vector<80x80xf32>
    %jit3A_1288 = arith.constant 0.000000e+00 : f32
    %broadcast_in_dim3A_1289 = vector.broadcast %jit3A_1288 : f32 to vector<80x80xf32>
    %select_n3A_1290 = arith.select %and3A, %add3A_1287, %broadcast_in_dim3A_1289 : vector<80x80xi1>, vector<80x80xf32>
    %reduce_sum3A_1291 = vector.shape_cast %select_n3A_1290 : vector<80x80xf32> to vector<1x80x80xf32>
    %reduce_sum3A_1292 = arith.constant dense<0.000000e+00> : vector<1xf32>
    %reduce_sum3A_1293 = vector.multi_reduction <add>, %reduce_sum3A_1291, %reduce_sum3A_1292 [1, 2] : vector<1x80x80xf32> to vector<1xf32>
    %reduce_sum3A_1294 = vector.shape_cast %reduce_sum3A_1293 : vector<1xf32> to vector<1x1x1xf32>
    %reduce_sum3A_1295 = vector.extract %reduce_sum3A_1294[0, 0, 0] : f32 from vector<1x1x1xf32>
    %convert_element_type3A = arith.extui %and3A : vector<80x80xi1> to vector<80x80xi32>
    %convert_element_type3A_1296 = arith.sitofp %convert_element_type3A : vector<80x80xi32> to vector<80x80xf32>
    %reduce_sum3A_1297 = vector.shape_cast %convert_element_type3A_1296 : vector<80x80xf32> to vector<1x80x80xf32>
    %reduce_sum3A_1298 = arith.constant dense<0.000000e+00> : vector<1xf32>
    %reduce_sum3A_1299 = vector.multi_reduction <add>, %reduce_sum3A_1297, %reduce_sum3A_1298 [1, 2] : vector<1x80x80xf32> to vector<1xf32>
    %reduce_sum3A_1300 = vector.shape_cast %reduce_sum3A_1299 : vector<1xf32> to vector<1x1x1xf32>
    %reduce_sum3A_1301 = vector.extract %reduce_sum3A_1300[0, 0, 0] : f32 from vector<1x1x1xf32>
    %add3A_1302 = arith.addf %reduce_sum3A_1295, %add3A_1274 : f32
    %div3A_1303 = arith.divf %add3A_1302, %reduce_sum3A_1301 : f32
    %swap3A = arith.constant 0 : index
    %swap3A_1304 = arith.constant 0 : index
    %swap3A_1305 = memref.load %arg1[%swap3A, %swap3A_1304] : memref<1x1xf32, #tpu.memory_space<smem>>
    memref.store %div3A_1303, %arg1[%swap3A, %swap3A_1304] : memref<1x1xf32, #tpu.memory_space<smem>>
    return
  }
}

</mosaic_0001>

<sc_bundles>
// kernel: kernel.4.cloned.1.call-start
scs
__scs_entry_jumppad:
0x0: {  	(pc) =	sbr.rel $0x88, $3  }
0x1: {  	(tag) =	ssettag $0x0;
	lr =	simm.s32 $0x1  }
0x2: {  	[smem:$0x3F9E] =	sst lr;
	_ =	strace $0xD0000000  }
0x3: {  	_ = 	snop  }
0x4: {  	_ = 	snop  }
0x5: {  	_ = 	snop  }
0x6: {  	_ = 	snop  }
0x7: {  	_ = 	snop  }
__scs_overlays_trampoline_lowered:
0x8: {  	[smem:$0x3FAD] =	sst s0  }
0x9: {  	[smem:$0x3FAE] =	sst s1  }
0xa: {  	[smem:$0x3FAF] =	sst s2  }
0xb: {  	[smem:$0x3FB0] =	sst s3  }
0xc: {  	[smem:$0x3FB1] =	sst s4  }
0xd: {  	[smem:$0x3FB2] =	sst s5  }
0xe: {  	[smem:$0x3FB3] =	sst s6  }
0xf: {  	[smem:$0x3FB4] =	sst s7  }
0x10: {  	[smem:$0x3FB5] =	sst s8  }
0x11: {  	[smem:$0x3FB6] =	sst s9;
	s0 =	simm.s32 @!p0 $0x0  }
0x12: {  	s1 =	sld [smem:$0x3F9C];
	s0 =	simm.s32 @p0 $0x1  }
0x13: {  	[smem:$0x3FB7] =	sst s0;
	s0 =	simm.s32 @!p1 $0x0  }
0x14: {  	s2 =	sld [smem:$0x3F9B];
	s0 =	simm.s32 @p1 $0x1  }
0x15: {  	[smem:$0x3FB8] =	sst s0;
	s0 =	simm.s32 @!p2 $0x0  }
0x16: {  	s3 =	sld [smem:$0x3FDB];
	s0 =	simm.s32 @p2 $0x1  }
0x17: {  	s4 =	simm.s32 $0x1BF5;
	[smem:$0x3FBA] =	sst s0  }
0x18: {  	s0 =	sld [smem:$0x3F9D];
	_ =	swait.ge [sflag:s4], $0x0  }
0x19: {  	s7 =	sld [smem:$0x3F9E]  }
0x1a: {  	s8 =	sadd.s32 $0xFFFFE003, lr  }
0x1b: {  	s9 =	sadd.s32 $0xFFFFFEF7, lr;
	s5 =	simm.s32 $0xFFFFFFFF;
	p2 =	slt.u32 s8, $0xFFFFF086  }
0x1c: {  	p1 =	slt.u32 s9, $0xF7A;
	s5 =	simm.s32 @!p2 $0x0  }
0x1d: {  	s5 =	simm.s32 @p1 $0x1;
	p0 =	seq.s32 s7, s2  }
0x1e: {  	s7 =	smul.u32 @!p0 $0xF7A, s2;
	p2 =	seq.s32 @!p0 s5, $0x0  }
0x1f: {  	s9 =	smul.u32 $0xF7A, s1;
	s8 =	simm.s32 @!p0 $0x1BF5;
	p2 =	por !p2, p0  }
0x20: {  	[sflag:s8] =	ssyncset.s32 @!p0 $0xFFFFF086;
	s6 =	sadd.s32 @!p0 s3, s7;
	s7 =	simm.s32 @!p0 $0x108  }
0x21: {  	s3 =	sadd.s32 s3, s9;
	s6 =	sadd.s32 @!p0 $0x88, s6;
	s7 =	simm.s32 @p2 $0x1082  }
0x22: {  	[simem:s7], [sflag:s8] =	dma.local @!p0 [hbm:s6], $0xF7A  }
0x23: {  	s9 =	sor.u32 $0xD0000000, s2;
	s6 =	simm.s32 $0x108;
	_ =	swait.ge @!p0 [sflag:s8], $0x0  }
0x24: {  	s3 =	sadd.s32 $0x88, s3;
	s6 =	simm.s32 @!p1 $0x1082;
	[sflag:s4] =	ssyncset.s32 $0xFFFFF086  }
0x25: {  	[simem:s6], [sflag:s4] =	dma.local [hbm:s3], $0xF7A  }
0x26: {  	[smem:$0x3F9E] =	sst s1;
	(tag) =	ssettag s2;
	_ =	strace s9  }
0x27: {  	s1 =	sld [smem:$0x3FAE]  }
0x28: {  	s2 =	sld [smem:$0x3FAF]  }
0x29: {  	s4 =	sld [smem:$0x3FB1]  }
0x2a: {  	p0 =	seq.s32 s5, $0x0;
	s5 =	sld [smem:$0x3FB2]  }
0x2b: {  	s6 =	sld [smem:$0x3FB3]  }
0x2c: {  	s7 =	sld [smem:$0x3FB4]  }
0x2d: {  	s3 =	simm.s32 $0x108;
	s8 =	sld [smem:$0x3FB5]  }
0x2e: {  	s3 =	simm.s32 @!p0 $0x1082;
	s9 =	sld [smem:$0x3FB6]  }
0x2f: {  	lr =	sadd.s32 s0, s3;
	s0 =	sld [smem:$0x3FAD]  }
0x30: {  	s3 =	sld [smem:$0x3FB0]  }
0x31: {  	[smem:$0x3FB9] =	sst s10  }
0x32: {  	s10 =	sld [smem:$0x3FB7];
	_ =	sdelay $0x3  }
0x33: {  	p0 =	seq.s32 s10, $0x1;
	s10 =	sld [smem:$0x3FB9];
	_ =	sdelay $0x3  }
0x34: {  	[smem:$0x3FB9] =	sst s10  }
0x35: {  	s10 =	sld [smem:$0x3FB8];
	_ =	sdelay $0x3  }
0x36: {  	p1 =	seq.s32 s10, $0x1;
	s10 =	sld [smem:$0x3FB9];
	_ =	sdelay $0x3  }
0x37: {  	[smem:$0x3FB9] =	sst s10  }
0x38: {  	s10 =	sld [smem:$0x3FBA]  }
0x39: {  	_ = 	snop;
	(pc) =	sbr.ind lr, $3  }
0x3a: {  	_ = 	snop  }
0x3b: {  	_ = 	snop  }
0x3c: {  	p2 =	seq.s32 s10, $0x1;
	s10 =	sld [smem:$0x3FB9]  }
0x3d: {  	_ =	shalt  }
0x3e: {  	_ =	shalt  }
0x3f: {  	_ =	shalt  }
0x40: {  	_ =	shalt  }
0x41: {  	_ =	shalt  }
0x42: {  	_ =	shalt  }
0x43: {  	_ =	shalt  }
0x44: {  	_ =	shalt  }
0x45: {  	_ =	shalt  }
0x46: {  	_ =	shalt  }
0x47: {  	_ =	shalt  }
0x48: {  	_ =	shalt  }
0x49: {  	_ =	shalt  }
0x4a: {  	_ =	shalt  }
0x4b: {  	_ =	shalt  }
0x4c: {  	_ =	shalt  }
0x4d: {  	_ =	shalt  }
0x4e: {  	_ =	shalt  }
0x4f: {  	_ =	shalt  }
0x50: {  	_ =	shalt  }
0x51: {  	_ =	shalt  }
0x52: {  	_ =	shalt  }
0x53: {  	_ =	shalt  }
0x54: {  	_ =	shalt  }
0x55: {  	_ =	shalt  }
0x56: {  	_ =	shalt  }
0x57: {  	_ =	shalt  }
0x58: {  	_ =	shalt  }
0x59: {  	_ =	shalt  }
0x5a: {  	_ =	shalt  }
0x5b: {  	_ =	shalt  }
0x5c: {  	_ =	shalt  }
0x5d: {  	_ =	shalt  }
0x5e: {  	_ =	shalt  }
0x5f: {  	_ =	shalt  }
0x60: {  	_ =	shalt  }
0x61: {  	_ =	shalt  }
0x62: {  	_ =	shalt  }
0x63: {  	_ =	shalt  }
0x64: {  	_ =	shalt  }
0x65: {  	_ =	shalt  }
0x66: {  	_ =	shalt  }
0x67: {  	_ =	shalt  }
0x68: {  	_ =	shalt  }
0x69: {  	_ =	shalt  }
0x6a: {  	_ =	shalt  }
0x6b: {  	_ =	shalt  }
0x6c: {  	_ =	shalt  }
0x6d: {  	_ =	shalt  }
0x6e: {  	_ =	shalt  }
0x6f: {  	_ =	shalt  }
0x70: {  	_ =	shalt  }
0x71: {  	_ =	shalt  }
0x72: {  	_ =	shalt  }
0x73: {  	_ =	shalt  }
0x74: {  	_ =	shalt  }
0x75: {  	_ =	shalt  }
0x76: {  	_ =	shalt  }
0x77: {  	_ =	shalt  }
0x78: {  	_ =	shalt  }
0x79: {  	_ =	shalt  }
0x7a: {  	_ =	shalt  }
0x7b: {  	_ =	shalt  }
0x7c: {  	_ =	shalt  }
0x7d: {  	_ =	shalt  }
0x7e: {  	_ =	shalt  }
0x7f: {  	_ =	shalt  }
0x80: {  	_ =	shalt  }
0x81: {  	_ =	shalt  }
0x82: {  	_ =	shalt  }
0x83: {  	_ =	shalt  }
0x84: {  	_ =	shalt  }
0x85: {  	_ =	shalt  }
0x86: {  	_ =	shalt  }
0x87: {  	_ =	shalt  }
.Lfunc_end0:
.L_simem_size_0:
called_computation_lowered:
.L_overlay_start_0:
0x88: {  	s2 =	sld [smem:$0x3FD9]  }
0x89: {  	s3 =	sld [smem:$0x3FFE];
	_ =	sdelay $0x1  }
0x8a: {  	s1 =	srdreg.scid  }
0x8b: {  	s0 =	sand.u32 $0x1, s1  }
0x8c: {  	s17 =	sshll.u32 s0, $0xA;
	s2 =	sadd.s32 s3, s2  }
0x8d: {  	s2 =	sadd.s32 s2, s17  }
0x8e: {  	[smem:$0x3FC5] =	sst s2  }
0x8f: {  	_ = 	snop  }
0x90: {  	s2 =	sld [smem:$0x3FC9]  }
0x91: {  	s18 =	sld [smem:$0x3FC7];
	(tm) =	ssettm $0x1  }
0x92: {  	s4 =	sld [smem:$0x3FFB];
	_ =	sdelay $0x3  }
0x93: {  	_ =	strace s4  }
0x94: {  	s4 =	sld [smem:$0x3FFC];
	_ =	sdelay $0x3  }
0x95: {  	_ =	strace s4  }
0x96: {  	s4 =	sld [smem:$0x3FFD];
	_ =	sdelay $0x3  }
0x97: {  	_ =	strace s4  }
0x98: {  	_ =	strace $0x8FFFFFFF  }
0x99: {  	s19 =	sld [smem:$0x3FDB];
	_ =	sdelay $0x1  }
0x9a: {  	s5 =	simm.s32 $_scs_section_size  }
0x9b: {  	s6 =	simm.s32 $_size__tile_overlayer_lowered;
	s7 =	simm.s32 $_tile_overlayer_lowered  }
0x9c: {  	s22 =	simm.s32 $0x1BFF;
	s21 =	sshll.u32 s7, $0x1;
	s4 =	sadd.s32 s5, s19  }
0x9d: {  	s8 =	simm.s32 $0x0;
	s20 =	sshll.u32 s6, $0x1;
	s6 =	sadd.s32 s21, s4  }
0x9e: {  	[timem:s8], [sflag:s22] =	dma.local [hbm:s6], s20  }
0x9f: {  	_ =	swait.ge [sflag:s22], s20  }
0xa0: {  	s5 =	ssub.s32 $0x0, s20;
	[sflag:s22] =	ssyncset.done $0x0  }
0xa1: {  	[sflag:s22] =	ssyncadd.s32 s5;
	_ =	sdelay $0x1  }
0xa2: {  	s23 =	simm.s32 $0x1B8B  }
0xa3: {  	_ =	swait.ge [sflag:s23], $0x1  }
0xa4: {  	[sflag:s23] =	ssyncset.done $0x0  }
0xa5: {  	s25 =	simm.s32 $0x1B8E;
	s24 =	sld [smem:$0x3FFE];
	[sflag:s23] =	ssyncadd.s32 $0xFFFFFFFF  }
0xa6: {  	s26 =	simm.s32 $execute0_lowered;
	[smem:$0x3FD2] =	sst s25  }
0xa7: {  	s6 =	sshll.u32 s26, $0x1;
	_ =	strace $0x80000046;
	[dreg:$0x1] =	wrdreg $0xFFFFFFFF  }
0xa8: {  	s28 =	simm.s32 $_size_execute0_lowered;
	s4 =	sadd.s32 s4, s6;
	[dreg:$0x0] =	wrdreg $0x0  }
0xa9: {  	s6 =	sshll.u32 s28, $0x1;
	[dreg:$0x2] =	wrdreg s4  }
0xaa: {  	[dreg:$0x3] =	wrdreg s6  }
0xab: {  	[dreg:$0x4] =	wrdreg $0xC0  }
0xac: {  	_ =	task [dreg:s8], $0x5FFFF  }
0xad: {  	[dreg:$0x1] =	wrdreg $0xFFFFFFFF  }
0xae: {  	[dreg:$0x0] =	wrdreg $0x60  }
0xaf: {  	[dreg:$0x2] =	wrdreg s18  }
0xb0: {  	[dreg:$0x3] =	wrdreg s2  }
0xb1: {  	[dreg:$0x4] =	wrdreg s24  }
0xb2: {  	[dreg:$0x5] =	wrdreg $0x9  }
0xb3: {  	_ =	task.clear_ibuf [dreg:s8], $0x6FFFF;
	_ =	strace $0x90000046  }
0xb4: {  	s29 =	simm.s32 $0x9;
	_ =	strace $0x80000048  }
0xb5: {  	_ =	swait.ge [sflag:s29], $0x1  }
0xb6: {  	[sflag:s29] =	ssyncadd.s32 $0xFFFFFFFF  }
0xb7: {  	_ =	strace $0x90000048  }
0xb8: {  	_ =	sfence  }
0xb9: {  	s30 =	sld [smem:$0x0];
	_ =	sdelay $0x2  }
0xba: {  	s31 =	sshll.u32 s1, $0xD;
	s1 =	sshrl.u32 s1, $0x2  }
0xbb: {  	s3 =	sand.u32 $0x4000, s31;
	s1 =	sadd.s32 s1, s30  }
0xbc: {  	s0 =	sor.u32 s3, s0;
	s1 =	sshll.u32 s1, $0x11  }
0xbd: {  	s0 =	sor.u32 s1, s0  }
0xbe: {  	s0 =	sadd.s32 $0x8F2B, s0  }
0xbf: {  	[sflag:s0] =	ssyncadd.remote.s32 $0x1  }
0xc0: {  	_ =	sfence.sel $0xFFFF  }
0xc1: {  	[dreg:$0x0] =	wrdreg $0xFFFFFFFF;
	(pc) =	sbr.abs _section_cstart, $3  }
0xc2: {  	[dreg:$0x1] =	wrdreg $0xFFFFFFFF  }
0xc3: {  	_ =	task.clear_ibuf [dreg:s8], $0x2FFFF;
	_ =	strace $0x9FFFFFFF  }
0xc4: {  	(tm) =	ssettm $0x7FFFFFFF  }
0xc5: {  	_ =	shalt  }
tec
execute0_lowered:
.L_overlay_start_1:
0x0: {  	(tag) =	ssettag $0x1  }
0x1: {  	s5 =	srdreg.scid;
	s1 =	stileid.u32  }
0x2: {  	s2 =	rddreg [dreg:$0x0];
	s7 =	sand.u32 $0x1, s5;
	s8 =	sshll.u32 s1, $0x1  }
0x3: {  	s4 =	rddreg [dreg:$0x1];
	s8 =	sor.u32 s7, s8;
	s7 =	ssub.s32 $0x2, s7  }
0x4: {  	s6 =	rddreg [dreg:$0x2];
	s10 =	sshrl.u32 s7, $0x1  }
0x5: {  	s0 =	rddreg [dreg:$0x3];
	s7 =	ssub.s32 s7, s10  }
0x6: {  	s3 =	simm.s32 $0x0;
	p3 =	por $0x0, $0x0;
	s7 =	smax.u32 s7, $0x1  }
0x7: {  	[smem:$0x7FF] =	sst s3;
	s5 =	sadd.s32 $0x600, s6;
	s19 =	sadd.s32 $0xFFFFFFFF, s7  }
0x8: {  	_ =	strace $0x80000047;
	s9 =	sshll.u32 s8, $0xB;
	p4 =	sne.s32 s19, $0x0  }
.Ltmp0:
0x9: {  	s11 =	sshll.u32 s8, $0x7;
	p2 =	seq.s32 s8, $0x1F;
	(pc) =	sbr.rel @!p4 .LBB2_3-.Ltmp0, $4  }
0xa: {  	s9 =	sadd.s32 s9, s6;
	s30 =	sadd.s32 $0xFFFFFFB0, s11;
	s11 =	sadd.s32 $0x7E6, s6  }
0xb: {  	p0 =	sne.s32 @!p2 s8, $0x0;
	s8 =	simm.s32 $0x2;
	s31 =	sshrl.u32 s30, $0x3  }
0xc: {  	s6 =	sadd.s32 $0x800, s9;
	p1 =	por !p0, p2;
	p0 =	por p0, p2  }
0xd: {  	s9 =	simm.s32 $0x1;
	s10 =	sadd.s32 s5, s31;
	s7 =	simm.s32 $0x80  }
0xe: {  	s12 =	simm.s32 @p2 $0x0;
	s13 =	simm.s32 @p2 $0x2  }
0xf: {  	[tilespmem:s12], [sflag:$0x2] =	stream.linear.gather @p2 [hbm4b:s11+s12], $0x70, $0x38;
	[tilespmem:$0x4080] =	vst v63  }
0x10: {  	_ =	swait.ge @p2 [sflag:s13], $0x70  }
0x11: {  	[sflag:s13] =	ssyncset.done @p2 $0x0  }
0x12: {  	v0 =	vimm.s32 @p2 $0x0;
	[sflag:s13] =	ssyncadd.s32 @p2 $0xFFFFFF90  }
0x13: {  	s14 =	simm.s32 @!p1 $0x0;
	s15 =	simm.s32 @!p1 $0x2;
	[tilespmem:$0x70] =	vst @p2 v0  }
0x14: {  	[tilespmem:s14], [sflag:$0x2] =	stream.linear.gather @!p1 [hbm4b:s10+s14], $0x80, $0x38;
	[tilespmem:$0x4080] =	vst v63  }
0x15: {  	_ =	swait.ge @!p1 [sflag:s15], $0x80  }
0x16: {  	[sflag:s15] =	ssyncset.done @!p1 $0x0  }
0x17: {  	s16 =	simm.s32 @!p0 $0x0;
	s17 =	simm.s32 @!p0 $0x2;
	[sflag:s15] =	ssyncadd.s32 @!p1 $0xFFFFFF80  }
0x18: {  	[tilespmem:s16], [sflag:$0x2] =	stream.linear.gather @!p0 [hbm4b:s4+s16], $0x50, $0x38;
	[tilespmem:$0x4080] =	vst v63  }
0x19: {  	_ =	swait.ge @!p0 [sflag:s17], $0x50  }
0x1a: {  	[sflag:s17] =	ssyncset.done @!p0 $0x0  }
0x1b: {  	s18 =	simm.s32 @!p0 $0x50;
	[sflag:s17] =	ssyncadd.s32 @!p0 $0xFFFFFFB0  }
0x1c: {  	[tilespmem:s18], [sflag:$0x2] =	stream.linear.gather @!p0 [hbm4b:s5+s16], $0x30, $0x38;
	[tilespmem:$0x4080] =	vst v63  }
0x1d: {  	_ =	swait.ge @!p0 [sflag:s17], $0x30  }
0x1e: {  	[sflag:s17] =	ssyncset.done @!p0 $0x0  }
0x1f: {  	s19 =	sadd.s32 $0xFFFFFFFF, s19;
	[sflag:s17] =	ssyncadd.s32 @!p0 $0xFFFFFFD0  }
0x20: {  	[tilespmem:s7], [sflag:$0x1] =	stream.indirect.gather [hbm4b:s2+s7], $0x80, s3, s7, $0xb8;
	[tilespmem:$0x4080] =	vst v63  }
0x21: {  	p4 =	sne.s32 s19, $0x0;
	_ =	swait.ge [sflag:s9], $0x4000  }
.Ltmp1:
0x22: {  	[sflag:s9] =	ssyncset.done $0x0;
	(pc) =	sbr.rel @!p4 .LBB2_3-.Ltmp1, $4  }
0x23: {  	[sflag:s9] =	ssyncadd.s32 $0xFFFFC000  }
0x24: {  	[hbm4b:s6+s3] =	stream.linear.scatter [tilespmem:s7], [sflag:$0x2], $0x4000, $0x38;
	[tilespmem:$0x4080] =	vst v63  }
0x25: {  	_ =	swait.ge [sflag:s8], $0x4000  }
0x26: {  	p3 =	por $0x1, $0x1;
	[sflag:s8] =	ssyncset.done $0x0  }
.LBB2_2:
0x27: {  	[sflag:s8] =	ssyncadd.s32 $0xFFFFC000  }
0x28: {  	[tilespmem:s12], [sflag:$0x2] =	stream.linear.gather @p2 [hbm4b:s11+s12], $0x70, $0x38;
	[tilespmem:$0x4080] =	vst v63  }
0x29: {  	s19 =	sadd.s32 $0xFFFFFFFF, s19;
	_ =	swait.ge @p2 [sflag:s13], $0x70  }
0x2a: {  	p4 =	sne.s32 s19, $0x0;
	[sflag:s13] =	ssyncset.done @p2 $0x0  }
0x2b: {  	[sflag:s13] =	ssyncadd.s32 @p2 $0xFFFFFF90  }
0x2c: {  	[tilespmem:$0x70] =	vst @p2 v0  }
0x2d: {  	[tilespmem:s14], [sflag:$0x2] =	stream.linear.gather @!p1 [hbm4b:s10+s14], $0x80, $0x38;
	[tilespmem:$0x4080] =	vst v63  }
0x2e: {  	_ =	swait.ge @!p1 [sflag:s15], $0x80  }
0x2f: {  	[sflag:s15] =	ssyncset.done @!p1 $0x0  }
0x30: {  	[sflag:s15] =	ssyncadd.s32 @!p1 $0xFFFFFF80  }
0x31: {  	[tilespmem:s16], [sflag:$0x2] =	stream.linear.gather @!p0 [hbm4b:s4+s16], $0x50, $0x38;
	[tilespmem:$0x4080] =	vst v63  }
0x32: {  	_ =	swait.ge @!p0 [sflag:s17], $0x50  }
0x33: {  	[sflag:s17] =	ssyncset.done @!p0 $0x0  }
0x34: {  	[sflag:s17] =	ssyncadd.s32 @!p0 $0xFFFFFFB0  }
0x35: {  	[tilespmem:s18], [sflag:$0x2] =	stream.linear.gather @!p0 [hbm4b:s5+s16], $0x30, $0x38;
	[tilespmem:$0x4080] =	vst v63  }
0x36: {  	_ =	swait.ge @!p0 [sflag:s17], $0x30  }
0x37: {  	[sflag:s17] =	ssyncset.done @!p0 $0x0  }
0x38: {  	[sflag:s17] =	ssyncadd.s32 @!p0 $0xFFFFFFD0  }
0x39: {  	[tilespmem:s7], [sflag:$0x1] =	stream.indirect.gather [hbm4b:s2+s7], $0x80, s3, s7, $0xb8;
	[tilespmem:$0x4080] =	vst v63  }
0x3a: {  	_ =	swait.ge [sflag:s9], $0x4000  }
.Ltmp2:
0x3b: {  	[sflag:s9] =	ssyncset.done $0x0;
	(pc) =	sbr.rel @p4 .LBB2_2-.Ltmp2, $4  }
0x3c: {  	[sflag:s9] =	ssyncadd.s32 $0xFFFFC000  }
0x3d: {  	[hbm4b:s6+s3] =	stream.linear.scatter [tilespmem:s7], [sflag:$0x2], $0x4000, $0x38;
	[tilespmem:$0x4080] =	vst v63  }
0x3e: {  	_ =	swait.ge [sflag:s8], $0x4000  }
0x3f: {  	[sflag:s8] =	ssyncset.done $0x0  }
.LBB2_3:
0x40: {  	s12 =	simm.s32 @p2 $0x0;
	s13 =	simm.s32 @p2 $0x2;
	[sflag:s8] =	ssyncadd.s32 @p3 $0xFFFFC000  }
0x41: {  	[tilespmem:s12], [sflag:$0x2] =	stream.linear.gather @p2 [hbm4b:s11+s12], $0x70, $0x38;
	[tilespmem:$0x4080] =	vst v63  }
0x42: {  	_ =	swait.ge @p2 [sflag:s13], $0x70  }
0x43: {  	[sflag:s13] =	ssyncset.done @p2 $0x0  }
0x44: {  	v0 =	vimm.s32 @p2 $0x0;
	[sflag:s13] =	ssyncadd.s32 @p2 $0xFFFFFF90  }
0x45: {  	s11 =	simm.s32 @!p1 $0x0;
	s12 =	simm.s32 @!p1 $0x2;
	[tilespmem:$0x70] =	vst @p2 v0  }
0x46: {  	[tilespmem:s11], [sflag:$0x2] =	stream.linear.gather @!p1 [hbm4b:s10+s11], $0x80, $0x38;
	[tilespmem:$0x4080] =	vst v63  }
0x47: {  	_ =	swait.ge @!p1 [sflag:s12], $0x80  }
0x48: {  	[sflag:s12] =	ssyncset.done @!p1 $0x0  }
0x49: {  	s10 =	simm.s32 @!p0 $0x0;
	s11 =	simm.s32 @!p0 $0x2;
	[sflag:s12] =	ssyncadd.s32 @!p1 $0xFFFFFF80  }
0x4a: {  	[tilespmem:s10], [sflag:$0x2] =	stream.linear.gather @!p0 [hbm4b:s4+s10], $0x50, $0x38;
	[tilespmem:$0x4080] =	vst v63  }
0x4b: {  	_ =	swait.ge @!p0 [sflag:s11], $0x50  }
0x4c: {  	[sflag:s11] =	ssyncset.done @!p0 $0x0  }
0x4d: {  	s4 =	simm.s32 @!p0 $0x50;
	[sflag:s11] =	ssyncadd.s32 @!p0 $0xFFFFFFB0  }
0x4e: {  	[tilespmem:s4], [sflag:$0x2] =	stream.linear.gather @!p0 [hbm4b:s5+s10], $0x30, $0x38;
	[tilespmem:$0x4080] =	vst v63  }
0x4f: {  	_ =	swait.ge @!p0 [sflag:s11], $0x30  }
0x50: {  	[sflag:s11] =	ssyncset.done @!p0 $0x0  }
0x51: {  	[sflag:s11] =	ssyncadd.s32 @!p0 $0xFFFFFFD0  }
0x52: {  	[tilespmem:s7], [sflag:$0x1] =	stream.indirect.gather [hbm4b:s2+s7], $0x80, s3, s7, $0xb8;
	[tilespmem:$0x4080] =	vst v63  }
0x53: {  	_ =	swait.ge [sflag:s9], $0x4000  }
0x54: {  	[sflag:s9] =	ssyncset.done $0x0  }
0x55: {  	[sflag:s9] =	ssyncadd.s32 $0xFFFFC000  }
0x56: {  	[hbm4b:s6+s3] =	stream.linear.scatter [tilespmem:s7], [sflag:$0x2], $0x4000, $0x38;
	[tilespmem:$0x4080] =	vst v63  }
0x57: {  	_ =	swait.ge [sflag:s8], $0x4000  }
0x58: {  	[sflag:s8] =	ssyncset.done $0x0  }
0x59: {  	[sflag:s8] =	ssyncadd.s32 $0xFFFFC000  }
0x5a: {  	_ =	sfence.sel $0x180000  }
0x5b: {  	[bflag:$0x0] =	sbarrier.arrive $0xFFFF  }
0x5c: {  	p0 =	sne.s32 s1, $0x0;
	_ =	strace $0x90000047  }
0x5d: {  	s0 =	sadd.s32 @!p0 $0x100000, s0;
	[bflag:$0x2] =	sbarrier.arrive $0xFFFF  }
0x5e: {  	[sflag:s0] =	ssyncadd.tile.s32 @!p0 $0x1;
	_ =	shalt  }
.Lfunc_end2:
_tile_overlayer_lowered:
.L_overlay_start_2:
0x5f: {  	(tag) =	ssettag $0x2  }
0x60: {  	s0 =	rddreg [dreg:$0x0];
	s2 =	stileid.u32  }
0x61: {  	s1 =	rddreg [dreg:$0x1];
	p0 =	sne.s32 s2, $0x0  }
0x62: {  	s3 =	rddreg [dreg:$0x2];
	[bflag:$0x3] =	sbarrier.arrive $0xFFFF;
	s2 =	simm.s32 @!p0 $0x1C02  }
0x63: {  	[timem:s3], [sflag:s2] =	dma.local @!p0 [hbm:s0], s1  }
0x64: {  	s0 =	simm.s32 @!p0 $0x2  }
0x65: {  	_ =	swait.ge @!p0 [sflag:s0], s1  }
0x66: {  	s1 =	ssub.s32 @!p0 $0x0, s1;
	[sflag:s0] =	ssyncset.done @!p0 $0x0  }
0x67: {  	[sflag:s0] =	ssyncadd.s32 @!p0 s1  }
0x68: {  	[bflag:$0x3] =	sbarrier.arrive $0xFFFF  }
0x69: {  	_ =	shalt  }

</sc_bundles>
